<compile_context>
chip_gen: v7x
topology: tpu7x:2x2x1
jax: 0.10.2.dev20260603
libtpu: 0.0.44.dev20260713+nightly
codegen_flags: <defaults>
</compile_context>

<pallas_src>
import functools

import jax
import jax.numpy as jnp
from jax import lax
from jax.experimental import pallas as pl
from jax.experimental.pallas import tpu as pltpu
from jax.experimental.pallas import tpu_sc as plsc

N = 10000
E = 320000
D = 128

NC = 2
NS = 16
NW = NC * NS

CHUNK = 128
NCHUNK = 80
EPW = NCHUNK * CHUNK
E_PAD = EPW * NW
N_PAD = N + 112
RPS = N_PAD // NS
DROWS = 80

BM = 2000



def _sc_stage_and_zero(src_hbm, dst_hbm, z_hbm, src_v, dst_v, acc, sid, wid):
    pltpu.sync_copy(src_hbm.at[wid], src_v)
    pltpu.sync_copy(dst_hbm.at[wid], dst_v)
    pltpu.sync_copy(z_hbm.at[pl.ds(sid * RPS, RPS)],
                    acc.at[pl.ds(sid * RPS, RPS)])


def _sc_main_loop(y_hbm, z_hbm, src_v, dst_v2, buf, sem, acc, nchunk,
                  hist=None):
    def body(j, carry):
        pltpu.sync_copy(y_hbm.at[src_v.at[j]], buf)
        pltpu.sync_copy(buf, acc.at[dst_v2.at[j]], add=True)
        return carry

    lax.fori_loop(0, nchunk, body, 0)


def _sc_agg_body(y_hbm, src_hbm, dst_hbm, z_hbm, out_hbm, src_v, dst_v,
                 buf, acc, sem):
    cid = lax.axis_index("c")
    sid = lax.axis_index("s")
    wid = sid * NC + cid
    _sc_stage_and_zero(src_hbm, dst_hbm, z_hbm, src_v, dst_v, acc, sid, wid)
    plsc.subcore_barrier()
    _sc_main_loop(y_hbm, z_hbm, src_v, dst_v, buf, sem, acc, NCHUNK)
    plsc.subcore_barrier()
    pltpu.sync_copy(acc.at[pl.ds(sid * RPS, RPS)],
                    out_hbm.at[cid, pl.ds(sid * RPS, RPS)])


def _sc_agg_deg_body(y_hbm, src_hbm, dst_hbm, z_hbm, ident_hbm,
                     out_hbm, deg_hbm,
                     src_v, dst_v, buf, degbuf, ident_v, acc, accd):
    cid = lax.axis_index("c")
    sid = lax.axis_index("s")
    wid = sid * NC + cid
    _sc_stage_and_zero(src_hbm, dst_hbm, z_hbm, src_v, dst_v, acc, sid, wid)
    pltpu.sync_copy(ident_hbm, ident_v)

    @pl.when(sid < DROWS // 8)
    def _():
        pltpu.sync_copy(z_hbm.at[pl.ds(sid * 8, 8)],
                        accd.at[pl.ds(sid * 8, 8)])

    def zb(k, carry):
        degbuf[k >> 3, pl.ds((k & 7) * 16, 16)] = jnp.zeros((16,), jnp.float32)
        return carry

    lax.fori_loop(0, DROWS * 8, zb, 0)

    iota = lax.iota(jnp.int32, 16)
    ones_f = jnp.ones((16,), jnp.float32)
    lane_masks = [iota == k for k in range(16)]

    def hist(e, carry):
        d = dst_v[e >> 3, pl.ds((e & 7) * 16, 16)]
        r = d >> 7
        c = d & 127
        for k in range(16):
            plsc.addupdate_scatter(degbuf, [r, c], ones_f, mask=lane_masks[k])
        return carry

    lax.fori_loop(0, EPW // 16, hist, 0)
    plsc.subcore_barrier()
    _sc_main_loop(y_hbm, z_hbm, src_v, dst_v, buf, None, acc, NCHUNK)
    pltpu.sync_copy(degbuf, accd.at[ident_v.at[0]], add=True)
    plsc.subcore_barrier()
    pltpu.sync_copy(acc.at[pl.ds(sid * RPS, RPS)],
                    out_hbm.at[cid, pl.ds(sid * RPS, RPS)])

    @pl.when(sid < DROWS // 8)
    def _():
        pltpu.sync_copy(accd.at[pl.ds(sid * 8, 8)],
                        deg_hbm.at[cid, pl.ds(sid * 8, 8)])


_MESH = plsc.VectorSubcoreMesh(core_axis_name="c", subcore_axis_name="s")


@functools.lru_cache(maxsize=None)
def _make_sc_agg():
    return pl.kernel(
        _sc_agg_body,
        mesh=_MESH,
        compiler_params=pltpu.CompilerParams(needs_layout_passes=False),
        out_type=jax.ShapeDtypeStruct((NC, N_PAD, D), jnp.float32),
        scratch_types=[
            pltpu.VMEM((NCHUNK, CHUNK), jnp.int32),
            pltpu.VMEM((NCHUNK, CHUNK), jnp.int32),
            pltpu.VMEM((CHUNK, D), jnp.float32),
            pltpu.VMEM_SHARED((N_PAD, D), jnp.float32),
            pltpu.SemaphoreType.DMA,
        ],
    )


@functools.lru_cache(maxsize=None)
def _make_sc_agg_deg():
    return pl.kernel(
        _sc_agg_deg_body,
        mesh=_MESH,
        compiler_params=pltpu.CompilerParams(needs_layout_passes=False),
        out_type=(
            jax.ShapeDtypeStruct((NC, N_PAD, D), jnp.float32),
            jax.ShapeDtypeStruct((NC, DROWS, 128), jnp.float32),
        ),
        scratch_types=[
            pltpu.VMEM((NCHUNK, CHUNK), jnp.int32),
            pltpu.VMEM((NCHUNK, CHUNK), jnp.int32),
            pltpu.VMEM((CHUNK, D), jnp.float32),
            pltpu.VMEM((DROWS, 128), jnp.float32),
            pltpu.VMEM((1, DROWS), jnp.int32),
            pltpu.VMEM_SHARED((N_PAD, D), jnp.float32),
            pltpu.VMEM_SHARED((DROWS, 128), jnp.float32),
        ],
    )



def _mm_body(h_ref, wn_ref, ws_ref, b_ref, y_ref, s_ref):
    h = h_ref[...]
    y_ref[...] = jnp.dot(h, wn_ref[...], preferred_element_type=jnp.float32)
    s_ref[...] = jnp.dot(h, ws_ref[...],
                         preferred_element_type=jnp.float32) + b_ref[...]


def _mm(h, wn, ws, b):
    n, k = h.shape
    wy = wn.shape[1]
    wsc = ws.shape[1]
    grid = (n // BM,)
    return pl.pallas_call(
        _mm_body,
        grid=grid,
        in_specs=[
            pl.BlockSpec((BM, k), lambda i: (i, 0)),
            pl.BlockSpec(wn.shape, lambda i: (0, 0)),
            pl.BlockSpec(ws.shape, lambda i: (0, 0)),
            pl.BlockSpec((1, wsc), lambda i: (0, 0)),
        ],
        out_specs=[
            pl.BlockSpec((BM, wy), lambda i: (i, 0)),
            pl.BlockSpec((BM, wsc), lambda i: (i, 0)),
        ],
        out_shape=[
            jax.ShapeDtypeStruct((n, wy), jnp.float32),
            jax.ShapeDtypeStruct((n, wsc), jnp.float32),
        ],
    )(h, wn, ws, b.reshape(1, -1))


def _degsum_body(p_ref, o_ref):
    o_ref[...] = jnp.sum(p_ref[...], axis=0)


def _degsum(pdeg):
    return pl.pallas_call(
        _degsum_body,
        in_specs=[pl.BlockSpec((NW, DROWS, 128), lambda: (0, 0, 0))],
        out_specs=pl.BlockSpec((DROWS, 128), lambda: (0, 0)),
        out_shape=jax.ShapeDtypeStruct((DROWS, 128), jnp.float32),
    )(pdeg)


def _combine0_body(s_ref, p_ref, d_ref, h_ref, r_ref):
    p = p_ref[0] + p_ref[1]
    deg = d_ref[0] + d_ref[1]
    recip = 1.0 / jnp.maximum(deg, 1.0)
    h_ref[...] = jnp.maximum(s_ref[...] + p * recip, 0.0)
    r_ref[...] = jnp.broadcast_to(recip, (s_ref.shape[0], 16))


def _combine0(s, partials, pdeg):
    grid = (N // BM,)
    return pl.pallas_call(
        _combine0_body,
        grid=grid,
        in_specs=[
            pl.BlockSpec((BM, D), lambda i: (i, 0)),
            pl.BlockSpec((NC, BM, D), lambda i: (0, i, 0)),
            pl.BlockSpec((NC, BM, 1), lambda i: (0, i, 0)),
        ],
        out_specs=[
            pl.BlockSpec((BM, D), lambda i: (i, 0)),
            pl.BlockSpec((BM, 16), lambda i: (i, 0)),
        ],
        out_shape=[
            jax.ShapeDtypeStruct((N, D), jnp.float32),
            jax.ShapeDtypeStruct((N, 16), jnp.float32),
        ],
    )(s, partials, pdeg)


def _combine_body_relu(s_ref, p_ref, r_ref, o_ref):
    p = p_ref[0] + p_ref[1]
    o_ref[...] = jnp.maximum(s_ref[...] + p * r_ref[:, :1], 0.0)


def _combine_body_lin(s_ref, p_ref, r_ref, o_ref):
    p = p_ref[0] + p_ref[1]
    o_ref[...] = s_ref[...] + p * r_ref[:, :1]


def _combine(s, partials, recip, relu):
    w = s.shape[1]
    grid = (N // BM,)
    return pl.pallas_call(
        _combine_body_relu if relu else _combine_body_lin,
        grid=grid,
        in_specs=[
            pl.BlockSpec((BM, w), lambda i: (i, 0)),
            pl.BlockSpec((NC, BM, w), lambda i: (0, i, 0)),
            pl.BlockSpec((BM, 16), lambda i: (i, 0)),
        ],
        out_specs=pl.BlockSpec((BM, w), lambda i: (i, 0)),
        out_shape=jax.ShapeDtypeStruct((N, w), jnp.float32),
    )(s, partials, recip)



def kernel(edge_index, x, W_self0, W_neigh0, b0, W_self1, W_neigh1, b1,
           W_self2, W_neigh2, b2):
    ei = edge_index.astype(jnp.int32)
    pad = E_PAD - E
    src_p = jnp.concatenate([ei[0], jnp.zeros((pad,), jnp.int32)])
    dst_p = jnp.concatenate(
        [ei[1], N + (jnp.arange(pad, dtype=jnp.int32) % 16)])
    src3 = src_p.reshape(NW, NCHUNK, CHUNK)
    dst3 = dst_p.reshape(NW, NCHUNK, CHUNK)

    zeros = jnp.zeros((N_PAD, D), jnp.float32)
    ident = jnp.arange(DROWS, dtype=jnp.int32).reshape(1, DROWS)

    wn2 = jnp.pad(W_neigh2, ((0, 0), (0, D - W_neigh2.shape[1])))
    ws2 = jnp.pad(W_self2, ((0, 0), (0, D - W_self2.shape[1])))
    b2p = jnp.pad(b2, (0, D - b2.shape[0]))

    sc_agg = _make_sc_agg()

    y0, s0 = _mm(x, W_neigh0, W_self0, b0)
    p0, pdeg = _make_sc_agg_deg()(y0, src3, dst3, zeros, ident)
    h1, recip = _combine0(s0, p0, pdeg.reshape(NC, DROWS * 128, 1))
    y1, s1 = _mm(h1, W_neigh1, W_self1, b1)
    p1 = sc_agg(y1, src3, dst3, zeros)
    h2 = _combine(s1, p1, recip, relu=True)
    y2, s2 = _mm(h2, wn2, ws2, b2p)
    p2 = sc_agg(y2, src3, dst3, zeros)
    out = _combine(s2, p2, recip, relu=False)
    return out[:, :47]

# --- scband reference (transcript-rebuilt; emitter-appended) ---
"""Pipeline reference for scband-dist-sage-1133871366693 (READ-ONLY COPY).

The authoritative reference and input builder live on the scoring server;
editing this copy changes nothing except your own understanding.
"""

import jax, jax.numpy as jnp
import numpy as np

N = 10000
E = 320000
D_IN = 128
D_H = 128
N_CLASSES = 47


def setup_inputs(seed: int = 0) -> dict:
    key = jax.random.key(seed)
    ks = jax.random.split(key, 12)
    x = jax.random.normal(ks[0], (N, D_IN), dtype=jnp.float32)
    edge_index = jax.random.randint(ks[1], (2, E), 0, N)
    # SAGEConv 'mean' params per layer: fc_self W, fc_neigh W, bias
    W_self0 = jax.random.normal(ks[2], (D_IN, D_H), dtype=jnp.float32) * 0.05
    W_neigh0 = jax.random.normal(ks[3], (D_IN, D_H), dtype=jnp.float32) * 0.05
    b0 = jnp.zeros((D_H,), dtype=jnp.float32)
    W_self1 = jax.random.normal(ks[4], (D_H, D_H), dtype=jnp.float32) * 0.05
    W_neigh1 = jax.random.normal(ks[5], (D_H, D_H), dtype=jnp.float32) * 0.05
    b1 = jnp.zeros((D_H,), dtype=jnp.float32)
    W_self2 = jax.random.normal(ks[6], (D_H, N_CLASSES), dtype=jnp.float32) * 0.05
    W_neigh2 = jax.random.normal(ks[7], (D_H, N_CLASSES), dtype=jnp.float32) * 0.05
    b2 = jnp.zeros((N_CLASSES,), dtype=jnp.float32)
    return {
        "edge_index": edge_index,
        "x": x,
        "W_self0": W_self0, "W_neigh0": W_neigh0, "b0": b0,
        "W_self1": W_self1, "W_neigh1": W_neigh1, "b1": b1,
        "W_self2": W_self2, "W_neigh2": W_neigh2, "b2": b2,
    }


def _sage_layer(h, src, dst, W_self, W_neigh, b):
    # mean aggregation of neighbor (src) features onto dst nodes
    deg = jnp.zeros((N,), h.dtype).at[dst].add(1.0)
    agg = jnp.zeros((N, h.shape[1]), h.dtype).at[dst].add(h[src])
    h_neigh = agg / jnp.maximum(deg, 1.0)[:, None]
    return h @ W_self + h_neigh @ W_neigh + b


def reference(edge_index, x, W_self0, W_neigh0, b0, W_self1, W_neigh1, b1, W_self2, W_neigh2, b2):
    src = edge_index[0]
    dst = edge_index[1]
    # layer 0
    h = _sage_layer(x, src, dst, W_self0, W_neigh0, b0)
    h = jax.nn.relu(h)  # dropout p=0.0 -> identity
    # layer 1
    h = _sage_layer(h, src, dst, W_self1, W_neigh1, b1)
    h = jax.nn.relu(h)
    # layer 2 (output, no activation)
    h = _sage_layer(h, src, dst, W_self2, W_neigh2, b2)
    return h

if __name__ == "__main__":
    import jax
    _d = setup_inputs()
    print(jax.jit(kernel)(*tuple(_d.values())))

</pallas_src>

<mosaic_0001>
#map = affine_map<(d0, d1) -> (0, 0)>
#map1 = affine_map<(d0, d1) -> (0, 0, 0)>
module attributes {stable_mosaic.version = 14 : i64} {
  func.func @_sc_agg_deg_body(%arg0: i32, %arg1: i32, %arg2: memref<10000x128xf32, #tpu.memory_space<hbm>>, %arg3: memref<32x80x128xi32, #tpu.memory_space<hbm>>, %arg4: memref<32x80x128xi32, #tpu.memory_space<hbm>>, %arg5: memref<10112x128xf32, #tpu.memory_space<hbm>>, %arg6: memref<1x80xi32, #tpu.memory_space<hbm>>, %arg7: memref<2x10112x128xf32, #tpu.memory_space<hbm>>, %arg8: memref<2x80x128xf32, #tpu.memory_space<hbm>>, %arg9: memref<80x128xi32, #tpu.memory_space<vmem>>, %arg10: memref<80x128xi32, #tpu.memory_space<vmem>>, %arg11: memref<128x128xf32, #tpu.memory_space<vmem>>, %arg12: memref<80x128xf32, #tpu.memory_space<vmem>>, %arg13: memref<1x80xi32, #tpu.memory_space<vmem>>, %arg14: memref<10112x128xf32, #tpu.memory_space<vmem_shared>>, %arg15: memref<80x128xf32, #tpu.memory_space<vmem_shared>>) attributes {dimension_semantics = [#tpu.dimension_semantics<core_parallel>, #tpu.dimension_semantics<subcore_parallel>], iteration_bounds = array<i64: 2, 16>, scalar_prefetch = 0 : i64, scratch_operands = 7 : i64, tpu.core_type = #tpu.core_type<sc_vector_subcore>, window_params = [{transform_indices = #map}, {transform_indices = #map1}, {transform_indices = #map1}, {transform_indices = #map}, {transform_indices = #map}, {transform_indices = #map1}, {transform_indices = #map1}]} {
    %mul3A = arith.constant 2 : i32
    %mul3A_0 = arith.muli %arg1, %mul3A : i32
    %add3A = arith.addi %mul3A_0, %arg0 : i32
    "tpu.region"() ({
      %run_scoped3A_82 = tpu.sem_alloc : memref<!tpu.dma_semaphore, #tpu.memory_space<semaphore_mem>>
      %dma_start3A = arith.constant 0 : i32
      %dma_start3A_83 = arith.constant 0 : i32
      %dma_start3A_84 = tpu.memref_slice %arg3[%add3A, %dma_start3A, %dma_start3A_83] : memref<32x80x128xi32, #tpu.memory_space<hbm>> -> memref<1x80x128xi32, #tpu.memory_space<hbm>>
      %dma_start3A_85 = tpu.memref_squeeze %dma_start3A_84 : memref<1x80x128xi32, #tpu.memory_space<hbm>> -> memref<80x128xi32, #tpu.memory_space<hbm>>
      %dma_start3A_86 = arith.constant 0 : i32
      %dma_start3A_87 = arith.constant 0 : i32
      %dma_start3A_88 = tpu.memref_slice %arg3[%add3A, %dma_start3A_86, %dma_start3A_87] : memref<32x80x128xi32, #tpu.memory_space<hbm>> -> memref<1x80x128xi32, #tpu.memory_space<hbm>>
      %dma_start3A_89 = tpu.memref_squeeze %dma_start3A_88 : memref<1x80x128xi32, #tpu.memory_space<hbm>> -> memref<80x128xi32, #tpu.memory_space<hbm>>
      tpu.enqueue_dma source(%dma_start3A_89 : memref<80x128xi32, #tpu.memory_space<hbm>>) target(%arg9 : memref<80x128xi32, #tpu.memory_space<vmem>>) target_semaphore(%run_scoped3A_82 : memref<!tpu.dma_semaphore, #tpu.memory_space<semaphore_mem>>)
      %dma_wait3A = arith.constant 0 : i32
      %dma_wait3A_90 = arith.constant 0 : i32
      %dma_wait3A_91 = tpu.memref_slice %arg3[%add3A, %dma_wait3A, %dma_wait3A_90] : memref<32x80x128xi32, #tpu.memory_space<hbm>> -> memref<1x80x128xi32, #tpu.memory_space<hbm>>
      %dma_wait3A_92 = tpu.memref_squeeze %dma_wait3A_91 : memref<1x80x128xi32, #tpu.memory_space<hbm>> -> memref<80x128xi32, #tpu.memory_space<hbm>>
      %dma_wait3A_93 = arith.constant 0 : i32
      %dma_wait3A_94 = arith.constant 0 : i32
      %dma_wait3A_95 = tpu.memref_slice %arg3[%add3A, %dma_wait3A_93, %dma_wait3A_94] : memref<32x80x128xi32, #tpu.memory_space<hbm>> -> memref<1x80x128xi32, #tpu.memory_space<hbm>>
      %dma_wait3A_96 = tpu.memref_squeeze %dma_wait3A_95 : memref<1x80x128xi32, #tpu.memory_space<hbm>> -> memref<80x128xi32, #tpu.memory_space<hbm>>
      tpu.wait_dma2 semaphore(%run_scoped3A_82 : memref<!tpu.dma_semaphore, #tpu.memory_space<semaphore_mem>>) src(%dma_wait3A_96 : memref<80x128xi32, #tpu.memory_space<hbm>>) dst(%arg9 : memref<80x128xi32, #tpu.memory_space<vmem>>)
      tpu.yield
    }) : () -> ()
    "tpu.region"() ({
      %run_scoped3A_82 = tpu.sem_alloc : memref<!tpu.dma_semaphore, #tpu.memory_space<semaphore_mem>>
      %dma_start3A = arith.constant 0 : i32
      %dma_start3A_83 = arith.constant 0 : i32
      %dma_start3A_84 = tpu.memref_slice %arg4[%add3A, %dma_start3A, %dma_start3A_83] : memref<32x80x128xi32, #tpu.memory_space<hbm>> -> memref<1x80x128xi32, #tpu.memory_space<hbm>>
      %dma_start3A_85 = tpu.memref_squeeze %dma_start3A_84 : memref<1x80x128xi32, #tpu.memory_space<hbm>> -> memref<80x128xi32, #tpu.memory_space<hbm>>
      %dma_start3A_86 = arith.constant 0 : i32
      %dma_start3A_87 = arith.constant 0 : i32
      %dma_start3A_88 = tpu.memref_slice %arg4[%add3A, %dma_start3A_86, %dma_start3A_87] : memref<32x80x128xi32, #tpu.memory_space<hbm>> -> memref<1x80x128xi32, #tpu.memory_space<hbm>>
      %dma_start3A_89 = tpu.memref_squeeze %dma_start3A_88 : memref<1x80x128xi32, #tpu.memory_space<hbm>> -> memref<80x128xi32, #tpu.memory_space<hbm>>
      tpu.enqueue_dma source(%dma_start3A_89 : memref<80x128xi32, #tpu.memory_space<hbm>>) target(%arg10 : memref<80x128xi32, #tpu.memory_space<vmem>>) target_semaphore(%run_scoped3A_82 : memref<!tpu.dma_semaphore, #tpu.memory_space<semaphore_mem>>)
      %dma_wait3A = arith.constant 0 : i32
      %dma_wait3A_90 = arith.constant 0 : i32
      %dma_wait3A_91 = tpu.memref_slice %arg4[%add3A, %dma_wait3A, %dma_wait3A_90] : memref<32x80x128xi32, #tpu.memory_space<hbm>> -> memref<1x80x128xi32, #tpu.memory_space<hbm>>
      %dma_wait3A_92 = tpu.memref_squeeze %dma_wait3A_91 : memref<1x80x128xi32, #tpu.memory_space<hbm>> -> memref<80x128xi32, #tpu.memory_space<hbm>>
      %dma_wait3A_93 = arith.constant 0 : i32
      %dma_wait3A_94 = arith.constant 0 : i32
      %dma_wait3A_95 = tpu.memref_slice %arg4[%add3A, %dma_wait3A_93, %dma_wait3A_94] : memref<32x80x128xi32, #tpu.memory_space<hbm>> -> memref<1x80x128xi32, #tpu.memory_space<hbm>>
      %dma_wait3A_96 = tpu.memref_squeeze %dma_wait3A_95 : memref<1x80x128xi32, #tpu.memory_space<hbm>> -> memref<80x128xi32, #tpu.memory_space<hbm>>
      tpu.wait_dma2 semaphore(%run_scoped3A_82 : memref<!tpu.dma_semaphore, #tpu.memory_space<semaphore_mem>>) src(%dma_wait3A_96 : memref<80x128xi32, #tpu.memory_space<hbm>>) dst(%arg10 : memref<80x128xi32, #tpu.memory_space<vmem>>)
      tpu.yield
    }) : () -> ()
    %mul3A_1 = arith.constant 632 : i32
    %mul3A_2 = arith.muli %arg1, %mul3A_1 : i32
    %mul3A_3 = arith.constant 632 : i32
    %mul3A_4 = arith.muli %arg1, %mul3A_3 : i32
    "tpu.region"() ({
      %run_scoped3A_82 = tpu.sem_alloc : memref<!tpu.dma_semaphore, #tpu.memory_space<semaphore_mem>>
      %dma_start3A = arith.constant 0 : i32
      %dma_start3A_83 = tpu.memref_slice %arg14[%mul3A_4, %dma_start3A] : memref<10112x128xf32, #tpu.memory_space<vmem_shared>> -> memref<632x128xf32, #tpu.memory_space<vmem_shared>>
      %dma_start3A_84 = arith.constant 0 : i32
      %dma_start3A_85 = tpu.memref_slice %arg5[%mul3A_2, %dma_start3A_84] : memref<10112x128xf32, #tpu.memory_space<hbm>> -> memref<632x128xf32, #tpu.memory_space<hbm>>
      tpu.enqueue_dma source(%dma_start3A_85 : memref<632x128xf32, #tpu.memory_space<hbm>>) target(%dma_start3A_83 : memref<632x128xf32, #tpu.memory_space<vmem_shared>>) target_semaphore(%run_scoped3A_82 : memref<!tpu.dma_semaphore, #tpu.memory_space<semaphore_mem>>)
      %dma_wait3A = arith.constant 0 : i32
      %dma_wait3A_86 = tpu.memref_slice %arg14[%mul3A_4, %dma_wait3A] : memref<10112x128xf32, #tpu.memory_space<vmem_shared>> -> memref<632x128xf32, #tpu.memory_space<vmem_shared>>
      %dma_wait3A_87 = arith.constant 0 : i32
      %dma_wait3A_88 = tpu.memref_slice %arg5[%mul3A_2, %dma_wait3A_87] : memref<10112x128xf32, #tpu.memory_space<hbm>> -> memref<632x128xf32, #tpu.memory_space<hbm>>
      tpu.wait_dma2 semaphore(%run_scoped3A_82 : memref<!tpu.dma_semaphore, #tpu.memory_space<semaphore_mem>>) src(%dma_wait3A_88 : memref<632x128xf32, #tpu.memory_space<hbm>>) dst(%dma_wait3A_86 : memref<632x128xf32, #tpu.memory_space<vmem_shared>>)
      tpu.yield
    }) : () -> ()
    "tpu.region"() ({
      %run_scoped3A_82 = tpu.sem_alloc : memref<!tpu.dma_semaphore, #tpu.memory_space<semaphore_mem>>
      tpu.enqueue_dma source(%arg6 : memref<1x80xi32, #tpu.memory_space<hbm>>) target(%arg13 : memref<1x80xi32, #tpu.memory_space<vmem>>) target_semaphore(%run_scoped3A_82 : memref<!tpu.dma_semaphore, #tpu.memory_space<semaphore_mem>>)
      tpu.wait_dma2 semaphore(%run_scoped3A_82 : memref<!tpu.dma_semaphore, #tpu.memory_space<semaphore_mem>>) src(%arg6 : memref<1x80xi32, #tpu.memory_space<hbm>>) dst(%arg13 : memref<1x80xi32, #tpu.memory_space<vmem>>)
      tpu.yield
    }) : () -> ()
    %lt3A = arith.constant 10 : i32
    %lt3A_5 = arith.cmpi slt, %arg1, %lt3A : i32
    %convert_element_type3A = arith.extui %lt3A_5 : i1 to i32
    %cond3A = arith.constant 0 : i32
    %cond3A_6 = arith.cmpi ne, %convert_element_type3A, %cond3A : i32
    scf.if %cond3A_6 {
      %mul3A_82 = arith.constant 8 : i32
      %mul3A_83 = arith.muli %arg1, %mul3A_82 : i32
      %mul3A_84 = arith.constant 8 : i32
      %mul3A_85 = arith.muli %arg1, %mul3A_84 : i32
      "tpu.region"() ({
        %run_scoped3A_86 = tpu.sem_alloc : memref<!tpu.dma_semaphore, #tpu.memory_space<semaphore_mem>>
        %dma_start3A = arith.constant 0 : i32
        %dma_start3A_87 = tpu.memref_slice %arg15[%mul3A_85, %dma_start3A] : memref<80x128xf32, #tpu.memory_space<vmem_shared>> -> memref<8x128xf32, #tpu.memory_space<vmem_shared>>
        %dma_start3A_88 = arith.constant 0 : i32
        %dma_start3A_89 = tpu.memref_slice %arg5[%mul3A_83, %dma_start3A_88] : memref<10112x128xf32, #tpu.memory_space<hbm>> -> memref<8x128xf32, #tpu.memory_space<hbm>>
        tpu.enqueue_dma source(%dma_start3A_89 : memref<8x128xf32, #tpu.memory_space<hbm>>) target(%dma_start3A_87 : memref<8x128xf32, #tpu.memory_space<vmem_shared>>) target_semaphore(%run_scoped3A_86 : memref<!tpu.dma_semaphore, #tpu.memory_space<semaphore_mem>>)
        %dma_wait3A = arith.constant 0 : i32
        %dma_wait3A_90 = tpu.memref_slice %arg15[%mul3A_85, %dma_wait3A] : memref<80x128xf32, #tpu.memory_space<vmem_shared>> -> memref<8x128xf32, #tpu.memory_space<vmem_shared>>
        %dma_wait3A_91 = arith.constant 0 : i32
        %dma_wait3A_92 = tpu.memref_slice %arg5[%mul3A_83, %dma_wait3A_91] : memref<10112x128xf32, #tpu.memory_space<hbm>> -> memref<8x128xf32, #tpu.memory_space<hbm>>
        tpu.wait_dma2 semaphore(%run_scoped3A_86 : memref<!tpu.dma_semaphore, #tpu.memory_space<semaphore_mem>>) src(%dma_wait3A_92 : memref<8x128xf32, #tpu.memory_space<hbm>>) dst(%dma_wait3A_90 : memref<8x128xf32, #tpu.memory_space<vmem_shared>>)
        tpu.yield
      }) : () -> ()
    } else {
    }
    %scan3A = arith.constant 0 : i32
    %scan3A_7 = arith.constant 0 : i32
    %scan3A_8 = arith.constant 640 : i32
    %scan3A_9 = arith.addi %scan3A_7, %scan3A_8 : i32
    %scan3A_10 = arith.constant 1 : i32
    scf.for %scan3A_82 = %scan3A_7 to %scan3A_9 step %scan3A_10  : i32 {
      %broadcast_in_dim3A_83 = arith.constant 0.000000e+00 : f32
      %broadcast_in_dim3A_84 = vector.broadcast %broadcast_in_dim3A_83 : f32 to vector<16xf32>
      %shift_right_arithmetic3A = arith.constant 3 : i32
      %shift_right_arithmetic3A_85 = arith.shrsi %scan3A_82, %shift_right_arithmetic3A : i32
      %and3A = arith.constant 7 : i32
      %and3A_86 = arith.andi %scan3A_82, %and3A : i32
      %mul3A_87 = arith.constant 16 : i32
      %mul3A_88 = arith.muli %and3A_86, %mul3A_87 : i32
      %swap3A = arith.index_cast %shift_right_arithmetic3A_85 : i32 to index
      %swap3A_89 = arith.index_cast %mul3A_88 : i32 to index
      %swap3A_90 = tpu.vector_load %arg12[%swap3A, %swap3A_89] {strides = array<i32>} : memref<80x128xf32, #tpu.memory_space<vmem>>, vector<16xf32>,
      tpu.vector_store %arg12[%swap3A, %swap3A_89], %broadcast_in_dim3A_84 {strides = array<i32>} : memref<80x128xf32, #tpu.memory_space<vmem>>, vector<16xf32>,
    }
    %scan3A_11 = arith.constant 640 : i32
    %iota3A = tpu.iota {dimensions = array<i32: 0>} : vector<16xi32>
    %broadcast_in_dim3A = arith.constant 1.000000e+00 : f32
    %broadcast_in_dim3A_12 = vector.broadcast %broadcast_in_dim3A : f32 to vector<16xf32>
    %eq3A = arith.constant 0 : i32
    %eq3A_13 = vector.broadcast %eq3A : i32 to vector<16xi32>
    %eq3A_14 = arith.cmpi eq, %iota3A, %eq3A_13 : vector<16xi32>
    %eq3A_15 = arith.constant 1 : i32
    %eq3A_16 = vector.broadcast %eq3A_15 : i32 to vector<16xi32>
    %eq3A_17 = arith.cmpi eq, %iota3A, %eq3A_16 : vector<16xi32>
    %eq3A_18 = arith.constant 2 : i32
    %eq3A_19 = vector.broadcast %eq3A_18 : i32 to vector<16xi32>
    %eq3A_20 = arith.cmpi eq, %iota3A, %eq3A_19 : vector<16xi32>
    %eq3A_21 = arith.constant 3 : i32
    %eq3A_22 = vector.broadcast %eq3A_21 : i32 to vector<16xi32>
    %eq3A_23 = arith.cmpi eq, %iota3A, %eq3A_22 : vector<16xi32>
    %eq3A_24 = arith.constant 4 : i32
    %eq3A_25 = vector.broadcast %eq3A_24 : i32 to vector<16xi32>
    %eq3A_26 = arith.cmpi eq, %iota3A, %eq3A_25 : vector<16xi32>
    %eq3A_27 = arith.constant 5 : i32
    %eq3A_28 = vector.broadcast %eq3A_27 : i32 to vector<16xi32>
    %eq3A_29 = arith.cmpi eq, %iota3A, %eq3A_28 : vector<16xi32>
    %eq3A_30 = arith.constant 6 : i32
    %eq3A_31 = vector.broadcast %eq3A_30 : i32 to vector<16xi32>
    %eq3A_32 = arith.cmpi eq, %iota3A, %eq3A_31 : vector<16xi32>
    %eq3A_33 = arith.constant 7 : i32
    %eq3A_34 = vector.broadcast %eq3A_33 : i32 to vector<16xi32>
    %eq3A_35 = arith.cmpi eq, %iota3A, %eq3A_34 : vector<16xi32>
    %eq3A_36 = arith.constant 8 : i32
    %eq3A_37 = vector.broadcast %eq3A_36 : i32 to vector<16xi32>
    %eq3A_38 = arith.cmpi eq, %iota3A, %eq3A_37 : vector<16xi32>
    %eq3A_39 = arith.constant 9 : i32
    %eq3A_40 = vector.broadcast %eq3A_39 : i32 to vector<16xi32>
    %eq3A_41 = arith.cmpi eq, %iota3A, %eq3A_40 : vector<16xi32>
    %eq3A_42 = arith.constant 10 : i32
    %eq3A_43 = vector.broadcast %eq3A_42 : i32 to vector<16xi32>
    %eq3A_44 = arith.cmpi eq, %iota3A, %eq3A_43 : vector<16xi32>
    %eq3A_45 = arith.constant 11 : i32
    %eq3A_46 = vector.broadcast %eq3A_45 : i32 to vector<16xi32>
    %eq3A_47 = arith.cmpi eq, %iota3A, %eq3A_46 : vector<16xi32>
    %eq3A_48 = arith.constant 12 : i32
    %eq3A_49 = vector.broadcast %eq3A_48 : i32 to vector<16xi32>
    %eq3A_50 = arith.cmpi eq, %iota3A, %eq3A_49 : vector<16xi32>
    %eq3A_51 = arith.constant 13 : i32
    %eq3A_52 = vector.broadcast %eq3A_51 : i32 to vector<16xi32>
    %eq3A_53 = arith.cmpi eq, %iota3A, %eq3A_52 : vector<16xi32>
    %eq3A_54 = arith.constant 14 : i32
    %eq3A_55 = vector.broadcast %eq3A_54 : i32 to vector<16xi32>
    %eq3A_56 = arith.cmpi eq, %iota3A, %eq3A_55 : vector<16xi32>
    %eq3A_57 = arith.constant 15 : i32
    %eq3A_58 = vector.broadcast %eq3A_57 : i32 to vector<16xi32>
    %eq3A_59 = arith.cmpi eq, %iota3A, %eq3A_58 : vector<16xi32>
    %scan3A_60 = arith.constant 0 : i32
    %scan3A_61 = arith.constant 0 : i32
    %scan3A_62 = arith.constant 640 : i32
    %scan3A_63 = arith.addi %scan3A_61, %scan3A_62 : i32
    %scan3A_64 = arith.constant 1 : i32
    scf.for %scan3A_82 = %scan3A_61 to %scan3A_63 step %scan3A_64  : i32 {
      %shift_right_arithmetic3A = arith.constant 3 : i32
      %shift_right_arithmetic3A_83 = arith.shrsi %scan3A_82, %shift_right_arithmetic3A : i32
      %and3A = arith.constant 7 : i32
      %and3A_84 = arith.andi %scan3A_82, %and3A : i32
      %mul3A_85 = arith.constant 16 : i32
      %mul3A_86 = arith.muli %and3A_84, %mul3A_85 : i32
      %get3A = arith.index_cast %shift_right_arithmetic3A_83 : i32 to index
      %get3A_87 = arith.index_cast %mul3A_86 : i32 to index
      %get3A_88 = tpu.vector_load %arg10[%get3A, %get3A_87] {strides = array<i32>} : memref<80x128xi32, #tpu.memory_space<vmem>>, vector<16xi32>,
      %shift_right_arithmetic3A_89 = arith.constant 7 : i32
      %shift_right_arithmetic3A_90 = vector.broadcast %shift_right_arithmetic3A_89 : i32 to vector<16xi32>
      %shift_right_arithmetic3A_91 = arith.shrsi %get3A_88, %shift_right_arithmetic3A_90 : vector<16xi32>
      %and3A_92 = arith.constant 127 : i32
      %and3A_93 = vector.broadcast %and3A_92 : i32 to vector<16xi32>
      %and3A_94 = arith.andi %get3A_88, %and3A_93 : vector<16xi32>
      tpu.vector_store_idx %arg12[%shift_right_arithmetic3A_91, %and3A_94], %broadcast_in_dim3A_12 masked %eq3A_14 {add = true} : memref<80x128xf32, #tpu.memory_space<vmem>>[vector<16xi32>, vector<16xi32>], vector<16xf32>, vector<16xi1>
      tpu.vector_store_idx %arg12[%shift_right_arithmetic3A_91, %and3A_94], %broadcast_in_dim3A_12 masked %eq3A_17 {add = true} : memref<80x128xf32, #tpu.memory_space<vmem>>[vector<16xi32>, vector<16xi32>], vector<16xf32>, vector<16xi1>
      tpu.vector_store_idx %arg12[%shift_right_arithmetic3A_91, %and3A_94], %broadcast_in_dim3A_12 masked %eq3A_20 {add = true} : memref<80x128xf32, #tpu.memory_space<vmem>>[vector<16xi32>, vector<16xi32>], vector<16xf32>, vector<16xi1>
      tpu.vector_store_idx %arg12[%shift_right_arithmetic3A_91, %and3A_94], %broadcast_in_dim3A_12 masked %eq3A_23 {add = true} : memref<80x128xf32, #tpu.memory_space<vmem>>[vector<16xi32>, vector<16xi32>], vector<16xf32>, vector<16xi1>
      tpu.vector_store_idx %arg12[%shift_right_arithmetic3A_91, %and3A_94], %broadcast_in_dim3A_12 masked %eq3A_26 {add = true} : memref<80x128xf32, #tpu.memory_space<vmem>>[vector<16xi32>, vector<16xi32>], vector<16xf32>, vector<16xi1>
      tpu.vector_store_idx %arg12[%shift_right_arithmetic3A_91, %and3A_94], %broadcast_in_dim3A_12 masked %eq3A_29 {add = true} : memref<80x128xf32, #tpu.memory_space<vmem>>[vector<16xi32>, vector<16xi32>], vector<16xf32>, vector<16xi1>
      tpu.vector_store_idx %arg12[%shift_right_arithmetic3A_91, %and3A_94], %broadcast_in_dim3A_12 masked %eq3A_32 {add = true} : memref<80x128xf32, #tpu.memory_space<vmem>>[vector<16xi32>, vector<16xi32>], vector<16xf32>, vector<16xi1>
      tpu.vector_store_idx %arg12[%shift_right_arithmetic3A_91, %and3A_94], %broadcast_in_dim3A_12 masked %eq3A_35 {add = true} : memref<80x128xf32, #tpu.memory_space<vmem>>[vector<16xi32>, vector<16xi32>], vector<16xf32>, vector<16xi1>
      tpu.vector_store_idx %arg12[%shift_right_arithmetic3A_91, %and3A_94], %broadcast_in_dim3A_12 masked %eq3A_38 {add = true} : memref<80x128xf32, #tpu.memory_space<vmem>>[vector<16xi32>, vector<16xi32>], vector<16xf32>, vector<16xi1>
      tpu.vector_store_idx %arg12[%shift_right_arithmetic3A_91, %and3A_94], %broadcast_in_dim3A_12 masked %eq3A_41 {add = true} : memref<80x128xf32, #tpu.memory_space<vmem>>[vector<16xi32>, vector<16xi32>], vector<16xf32>, vector<16xi1>
      tpu.vector_store_idx %arg12[%shift_right_arithmetic3A_91, %and3A_94], %broadcast_in_dim3A_12 masked %eq3A_44 {add = true} : memref<80x128xf32, #tpu.memory_space<vmem>>[vector<16xi32>, vector<16xi32>], vector<16xf32>, vector<16xi1>
      tpu.vector_store_idx %arg12[%shift_right_arithmetic3A_91, %and3A_94], %broadcast_in_dim3A_12 masked %eq3A_47 {add = true} : memref<80x128xf32, #tpu.memory_space<vmem>>[vector<16xi32>, vector<16xi32>], vector<16xf32>, vector<16xi1>
      tpu.vector_store_idx %arg12[%shift_right_arithmetic3A_91, %and3A_94], %broadcast_in_dim3A_12 masked %eq3A_50 {add = true} : memref<80x128xf32, #tpu.memory_space<vmem>>[vector<16xi32>, vector<16xi32>], vector<16xf32>, vector<16xi1>
      tpu.vector_store_idx %arg12[%shift_right_arithmetic3A_91, %and3A_94], %broadcast_in_dim3A_12 masked %eq3A_53 {add = true} : memref<80x128xf32, #tpu.memory_space<vmem>>[vector<16xi32>, vector<16xi32>], vector<16xf32>, vector<16xi1>
      tpu.vector_store_idx %arg12[%shift_right_arithmetic3A_91, %and3A_94], %broadcast_in_dim3A_12 masked %eq3A_56 {add = true} : memref<80x128xf32, #tpu.memory_space<vmem>>[vector<16xi32>, vector<16xi32>], vector<16xf32>, vector<16xi1>
      tpu.vector_store_idx %arg12[%shift_right_arithmetic3A_91, %and3A_94], %broadcast_in_dim3A_12 masked %eq3A_59 {add = true} : memref<80x128xf32, #tpu.memory_space<vmem>>[vector<16xi32>, vector<16xi32>], vector<16xf32>, vector<16xi1>
    }
    %scan3A_65 = arith.constant 640 : i32
    %barrier3A = arith.constant 0 : index
    tpu.barrier barrier_id(%barrier3A)
    %scan3A_66 = arith.constant 0 : i32
    %scan3A_67 = arith.constant 0 : i32
    %scan3A_68 = arith.constant 80 : i32
    %scan3A_69 = arith.addi %scan3A_67, %scan3A_68 : i32
    %scan3A_70 = arith.constant 1 : i32
    scf.for %scan3A_82 = %scan3A_67 to %scan3A_69 step %scan3A_70  : i32 {
      "tpu.region"() ({
        %run_scoped3A_83 = tpu.sem_alloc : memref<!tpu.dma_semaphore, #tpu.memory_space<semaphore_mem>>
        %dma_start3A = arith.constant 0 : i32
        %dma_start3A_84 = tpu.memref_slice %arg9[%scan3A_82, %dma_start3A] : memref<80x128xi32, #tpu.memory_space<vmem>> -> memref<1x128xi32, #tpu.memory_space<vmem>>
        %dma_start3A_85 = tpu.memref_squeeze %dma_start3A_84 : memref<1x128xi32, #tpu.memory_space<vmem>> -> memref<128xi32, #tpu.memory_space<vmem>>
        %dma_start3A_86 = arith.constant 0 : i32
        %dma_start3A_87 = arith.constant 0 : i32
        %dma_start3A_88 = tpu.memref_slice %arg2[%dma_start3A_86, %dma_start3A_87] : memref<10000x128xf32, #tpu.memory_space<hbm>> -> memref<10000x128xf32, #tpu.memory_space<hbm>>
        tpu.enqueue_indirect_dma source(%dma_start3A_88 : memref<10000x128xf32, #tpu.memory_space<hbm>>) target(%arg11 : memref<128x128xf32, #tpu.memory_space<vmem>>) offsets(%dma_start3A_85 : memref<128xi32, #tpu.memory_space<vmem>>) semaphore(%run_scoped3A_83 : memref<!tpu.dma_semaphore, #tpu.memory_space<semaphore_mem>>)
        %dma_wait3A = arith.constant 0 : i32
        %dma_wait3A_89 = tpu.memref_slice %arg9[%scan3A_82, %dma_wait3A] : memref<80x128xi32, #tpu.memory_space<vmem>> -> memref<1x128xi32, #tpu.memory_space<vmem>>
        %dma_wait3A_90 = tpu.memref_squeeze %dma_wait3A_89 : memref<1x128xi32, #tpu.memory_space<vmem>> -> memref<128xi32, #tpu.memory_space<vmem>>
        %dma_wait3A_91 = arith.constant 0 : i32
        %dma_wait3A_92 = arith.constant 0 : i32
        %dma_wait3A_93 = tpu.memref_slice %arg2[%dma_wait3A_91, %dma_wait3A_92] : memref<10000x128xf32, #tpu.memory_space<hbm>> -> memref<10000x128xf32, #tpu.memory_space<hbm>>
        tpu.wait_indirect_dma semaphore(%run_scoped3A_83 : memref<!tpu.dma_semaphore, #tpu.memory_space<semaphore_mem>>) src(%dma_wait3A_93 : memref<10000x128xf32, #tpu.memory_space<hbm>>) dst(%arg11 : memref<128x128xf32, #tpu.memory_space<vmem>>)
        tpu.yield
      }) : () -> ()
      "tpu.region"() ({
        %run_scoped3A_83 = tpu.sem_alloc : memref<!tpu.dma_semaphore, #tpu.memory_space<semaphore_mem>>
        %dma_start3A = arith.constant 0 : i32
        %dma_start3A_84 = tpu.memref_slice %arg10[%scan3A_82, %dma_start3A] : memref<80x128xi32, #tpu.memory_space<vmem>> -> memref<1x128xi32, #tpu.memory_space<vmem>>
        %dma_start3A_85 = tpu.memref_squeeze %dma_start3A_84 : memref<1x128xi32, #tpu.memory_space<vmem>> -> memref<128xi32, #tpu.memory_space<vmem>>
        %dma_start3A_86 = arith.constant 0 : i32
        %dma_start3A_87 = arith.constant 0 : i32
        %dma_start3A_88 = tpu.memref_slice %arg14[%dma_start3A_86, %dma_start3A_87] : memref<10112x128xf32, #tpu.memory_space<vmem_shared>> -> memref<10112x128xf32, #tpu.memory_space<vmem_shared>>
        tpu.enqueue_indirect_dma source(%arg11 : memref<128x128xf32, #tpu.memory_space<vmem>>) target(%dma_start3A_88 : memref<10112x128xf32, #tpu.memory_space<vmem_shared>>) offsets(%dma_start3A_85 : memref<128xi32, #tpu.memory_space<vmem>>) semaphore(%run_scoped3A_83 : memref<!tpu.dma_semaphore, #tpu.memory_space<semaphore_mem>>) {add = true}
        %dma_wait3A = arith.constant 0 : i32
        %dma_wait3A_89 = tpu.memref_slice %arg10[%scan3A_82, %dma_wait3A] : memref<80x128xi32, #tpu.memory_space<vmem>> -> memref<1x128xi32, #tpu.memory_space<vmem>>
        %dma_wait3A_90 = tpu.memref_squeeze %dma_wait3A_89 : memref<1x128xi32, #tpu.memory_space<vmem>> -> memref<128xi32, #tpu.memory_space<vmem>>
        %dma_wait3A_91 = arith.constant 0 : i32
        %dma_wait3A_92 = arith.constant 0 : i32
        %dma_wait3A_93 = tpu.memref_slice %arg14[%dma_wait3A_91, %dma_wait3A_92] : memref<10112x128xf32, #tpu.memory_space<vmem_shared>> -> memref<10112x128xf32, #tpu.memory_space<vmem_shared>>
        tpu.wait_indirect_dma semaphore(%run_scoped3A_83 : memref<!tpu.dma_semaphore, #tpu.memory_space<semaphore_mem>>) src(%arg11 : memref<128x128xf32, #tpu.memory_space<vmem>>) dst(%dma_wait3A_93 : memref<10112x128xf32, #tpu.memory_space<vmem_shared>>)
        tpu.yield
      }) : () -> ()
    }
    %scan3A_71 = arith.constant 80 : i32
    %run_scoped3A = arith.constant 0 : i32
    "tpu.region"() ({
      %run_scoped3A_82 = tpu.sem_alloc : memref<!tpu.dma_semaphore, #tpu.memory_space<semaphore_mem>>
      %dma_start3A = arith.constant 0 : i32
      %dma_start3A_83 = tpu.memref_slice %arg13[%run_scoped3A, %dma_start3A] : memref<1x80xi32, #tpu.memory_space<vmem>> -> memref<1x80xi32, #tpu.memory_space<vmem>>
      %dma_start3A_84 = tpu.memref_squeeze %dma_start3A_83 : memref<1x80xi32, #tpu.memory_space<vmem>> -> memref<80xi32, #tpu.memory_space<vmem>>
      %dma_start3A_85 = arith.constant 0 : i32
      %dma_start3A_86 = arith.constant 0 : i32
      %dma_start3A_87 = tpu.memref_slice %arg15[%dma_start3A_85, %dma_start3A_86] : memref<80x128xf32, #tpu.memory_space<vmem_shared>> -> memref<80x128xf32, #tpu.memory_space<vmem_shared>>
      tpu.enqueue_indirect_dma source(%arg12 : memref<80x128xf32, #tpu.memory_space<vmem>>) target(%dma_start3A_87 : memref<80x128xf32, #tpu.memory_space<vmem_shared>>) offsets(%dma_start3A_84 : memref<80xi32, #tpu.memory_space<vmem>>) semaphore(%run_scoped3A_82 : memref<!tpu.dma_semaphore, #tpu.memory_space<semaphore_mem>>) {add = true}
      %dma_wait3A = arith.constant 0 : i32
      %dma_wait3A_88 = tpu.memref_slice %arg13[%run_scoped3A, %dma_wait3A] : memref<1x80xi32, #tpu.memory_space<vmem>> -> memref<1x80xi32, #tpu.memory_space<vmem>>
      %dma_wait3A_89 = tpu.memref_squeeze %dma_wait3A_88 : memref<1x80xi32, #tpu.memory_space<vmem>> -> memref<80xi32, #tpu.memory_space<vmem>>
      %dma_wait3A_90 = arith.constant 0 : i32
      %dma_wait3A_91 = arith.constant 0 : i32
      %dma_wait3A_92 = tpu.memref_slice %arg15[%dma_wait3A_90, %dma_wait3A_91] : memref<80x128xf32, #tpu.memory_space<vmem_shared>> -> memref<80x128xf32, #tpu.memory_space<vmem_shared>>
      tpu.wait_indirect_dma semaphore(%run_scoped3A_82 : memref<!tpu.dma_semaphore, #tpu.memory_space<semaphore_mem>>) src(%arg12 : memref<80x128xf32, #tpu.memory_space<vmem>>) dst(%dma_wait3A_92 : memref<80x128xf32, #tpu.memory_space<vmem_shared>>)
      tpu.yield
    }) : () -> ()
    %barrier3A_72 = arith.constant 0 : index
    tpu.barrier barrier_id(%barrier3A_72)
    %mul3A_73 = arith.constant 632 : i32
    %mul3A_74 = arith.muli %arg1, %mul3A_73 : i32
    %mul3A_75 = arith.constant 632 : i32
    %mul3A_76 = arith.muli %arg1, %mul3A_75 : i32
    "tpu.region"() ({
      %run_scoped3A_82 = tpu.sem_alloc : memref<!tpu.dma_semaphore, #tpu.memory_space<semaphore_mem>>
      %dma_start3A = arith.constant 0 : i32
      %dma_start3A_83 = tpu.memref_slice %arg7[%arg0, %mul3A_76, %dma_start3A] : memref<2x10112x128xf32, #tpu.memory_space<hbm>> -> memref<1x632x128xf32, #tpu.memory_space<hbm>>
      %dma_start3A_84 = tpu.memref_squeeze %dma_start3A_83 : memref<1x632x128xf32, #tpu.memory_space<hbm>> -> memref<632x128xf32, #tpu.memory_space<hbm>>
      %dma_start3A_85 = arith.constant 0 : i32
      %dma_start3A_86 = tpu.memref_slice %arg14[%mul3A_74, %dma_start3A_85] : memref<10112x128xf32, #tpu.memory_space<vmem_shared>> -> memref<632x128xf32, #tpu.memory_space<vmem_shared>>
      tpu.enqueue_dma source(%dma_start3A_86 : memref<632x128xf32, #tpu.memory_space<vmem_shared>>) target(%dma_start3A_84 : memref<632x128xf32, #tpu.memory_space<hbm>>) target_semaphore(%run_scoped3A_82 : memref<!tpu.dma_semaphore, #tpu.memory_space<semaphore_mem>>)
      %dma_wait3A = arith.constant 0 : i32
      %dma_wait3A_87 = tpu.memref_slice %arg7[%arg0, %mul3A_76, %dma_wait3A] : memref<2x10112x128xf32, #tpu.memory_space<hbm>> -> memref<1x632x128xf32, #tpu.memory_space<hbm>>
      %dma_wait3A_88 = tpu.memref_squeeze %dma_wait3A_87 : memref<1x632x128xf32, #tpu.memory_space<hbm>> -> memref<632x128xf32, #tpu.memory_space<hbm>>
      %dma_wait3A_89 = arith.constant 0 : i32
      %dma_wait3A_90 = tpu.memref_slice %arg14[%mul3A_74, %dma_wait3A_89] : memref<10112x128xf32, #tpu.memory_space<vmem_shared>> -> memref<632x128xf32, #tpu.memory_space<vmem_shared>>
      tpu.wait_dma2 semaphore(%run_scoped3A_82 : memref<!tpu.dma_semaphore, #tpu.memory_space<semaphore_mem>>) src(%dma_wait3A_90 : memref<632x128xf32, #tpu.memory_space<vmem_shared>>) dst(%dma_wait3A_88 : memref<632x128xf32, #tpu.memory_space<hbm>>)
      tpu.yield
    }) : () -> ()
    %lt3A_77 = arith.constant 10 : i32
    %lt3A_78 = arith.cmpi slt, %arg1, %lt3A_77 : i32
    %convert_element_type3A_79 = arith.extui %lt3A_78 : i1 to i32
    %cond3A_80 = arith.constant 0 : i32
    %cond3A_81 = arith.cmpi ne, %convert_element_type3A_79, %cond3A_80 : i32
    scf.if %cond3A_81 {
      %mul3A_82 = arith.constant 8 : i32
      %mul3A_83 = arith.muli %arg1, %mul3A_82 : i32
      %mul3A_84 = arith.constant 8 : i32
      %mul3A_85 = arith.muli %arg1, %mul3A_84 : i32
      "tpu.region"() ({
        %run_scoped3A_86 = tpu.sem_alloc : memref<!tpu.dma_semaphore, #tpu.memory_space<semaphore_mem>>
        %dma_start3A = arith.constant 0 : i32
        %dma_start3A_87 = tpu.memref_slice %arg8[%arg0, %mul3A_85, %dma_start3A] : memref<2x80x128xf32, #tpu.memory_space<hbm>> -> memref<1x8x128xf32, #tpu.memory_space<hbm>>
        %dma_start3A_88 = tpu.memref_squeeze %dma_start3A_87 : memref<1x8x128xf32, #tpu.memory_space<hbm>> -> memref<8x128xf32, #tpu.memory_space<hbm>>
        %dma_start3A_89 = arith.constant 0 : i32
        %dma_start3A_90 = tpu.memref_slice %arg15[%mul3A_83, %dma_start3A_89] : memref<80x128xf32, #tpu.memory_space<vmem_shared>> -> memref<8x128xf32, #tpu.memory_space<vmem_shared>>
        tpu.enqueue_dma source(%dma_start3A_90 : memref<8x128xf32, #tpu.memory_space<vmem_shared>>) target(%dma_start3A_88 : memref<8x128xf32, #tpu.memory_space<hbm>>) target_semaphore(%run_scoped3A_86 : memref<!tpu.dma_semaphore, #tpu.memory_space<semaphore_mem>>)
        %dma_wait3A = arith.constant 0 : i32
        %dma_wait3A_91 = tpu.memref_slice %arg8[%arg0, %mul3A_85, %dma_wait3A] : memref<2x80x128xf32, #tpu.memory_space<hbm>> -> memref<1x8x128xf32, #tpu.memory_space<hbm>>
        %dma_wait3A_92 = tpu.memref_squeeze %dma_wait3A_91 : memref<1x8x128xf32, #tpu.memory_space<hbm>> -> memref<8x128xf32, #tpu.memory_space<hbm>>
        %dma_wait3A_93 = arith.constant 0 : i32
        %dma_wait3A_94 = tpu.memref_slice %arg15[%mul3A_83, %dma_wait3A_93] : memref<80x128xf32, #tpu.memory_space<vmem_shared>> -> memref<8x128xf32, #tpu.memory_space<vmem_shared>>
        tpu.wait_dma2 semaphore(%run_scoped3A_86 : memref<!tpu.dma_semaphore, #tpu.memory_space<semaphore_mem>>) src(%dma_wait3A_94 : memref<8x128xf32, #tpu.memory_space<vmem_shared>>) dst(%dma_wait3A_92 : memref<8x128xf32, #tpu.memory_space<hbm>>)
        tpu.yield
      }) : () -> ()
    } else {
    }
    return
  }
}

#map = affine_map<(d0, d1) -> (0, 0)>
#map1 = affine_map<(d0, d1) -> (0, 0, 0)>
module attributes {stable_mosaic.version = 14 : i64} {
  func.func @_sc_agg_body(%arg0: i32, %arg1: i32, %arg2: memref<10000x128xf32, #tpu.memory_space<hbm>>, %arg3: memref<32x80x128xi32, #tpu.memory_space<hbm>>, %arg4: memref<32x80x128xi32, #tpu.memory_space<hbm>>, %arg5: memref<10112x128xf32, #tpu.memory_space<hbm>>, %arg6: memref<2x10112x128xf32, #tpu.memory_space<hbm>>, %arg7: memref<80x128xi32, #tpu.memory_space<vmem>>, %arg8: memref<80x128xi32, #tpu.memory_space<vmem>>, %arg9: memref<128x128xf32, #tpu.memory_space<vmem>>, %arg10: memref<10112x128xf32, #tpu.memory_space<vmem_shared>>, %arg11: memref<!tpu.dma_semaphore, #tpu.memory_space<semaphore_mem>>) attributes {dimension_semantics = [#tpu.dimension_semantics<core_parallel>, #tpu.dimension_semantics<subcore_parallel>], iteration_bounds = array<i64: 2, 16>, scalar_prefetch = 0 : i64, scratch_operands = 5 : i64, tpu.core_type = #tpu.core_type<sc_vector_subcore>, window_params = [{transform_indices = #map}, {transform_indices = #map1}, {transform_indices = #map1}, {transform_indices = #map}, {transform_indices = #map1}]} {
    %mul3A = arith.constant 2 : i32
    %mul3A_0 = arith.muli %arg1, %mul3A : i32
    %add3A = arith.addi %mul3A_0, %arg0 : i32
    "tpu.region"() ({
      %run_scoped3A = tpu.sem_alloc : memref<!tpu.dma_semaphore, #tpu.memory_space<semaphore_mem>>
      %dma_start3A = arith.constant 0 : i32
      %dma_start3A_15 = arith.constant 0 : i32
      %dma_start3A_16 = tpu.memref_slice %arg3[%add3A, %dma_start3A, %dma_start3A_15] : memref<32x80x128xi32, #tpu.memory_space<hbm>> -> memref<1x80x128xi32, #tpu.memory_space<hbm>>
      %dma_start3A_17 = tpu.memref_squeeze %dma_start3A_16 : memref<1x80x128xi32, #tpu.memory_space<hbm>> -> memref<80x128xi32, #tpu.memory_space<hbm>>
      %dma_start3A_18 = arith.constant 0 : i32
      %dma_start3A_19 = arith.constant 0 : i32
      %dma_start3A_20 = tpu.memref_slice %arg3[%add3A, %dma_start3A_18, %dma_start3A_19] : memref<32x80x128xi32, #tpu.memory_space<hbm>> -> memref<1x80x128xi32, #tpu.memory_space<hbm>>
      %dma_start3A_21 = tpu.memref_squeeze %dma_start3A_20 : memref<1x80x128xi32, #tpu.memory_space<hbm>> -> memref<80x128xi32, #tpu.memory_space<hbm>>
      tpu.enqueue_dma source(%dma_start3A_21 : memref<80x128xi32, #tpu.memory_space<hbm>>) target(%arg7 : memref<80x128xi32, #tpu.memory_space<vmem>>) target_semaphore(%run_scoped3A : memref<!tpu.dma_semaphore, #tpu.memory_space<semaphore_mem>>)
      %dma_wait3A = arith.constant 0 : i32
      %dma_wait3A_22 = arith.constant 0 : i32
      %dma_wait3A_23 = tpu.memref_slice %arg3[%add3A, %dma_wait3A, %dma_wait3A_22] : memref<32x80x128xi32, #tpu.memory_space<hbm>> -> memref<1x80x128xi32, #tpu.memory_space<hbm>>
      %dma_wait3A_24 = tpu.memref_squeeze %dma_wait3A_23 : memref<1x80x128xi32, #tpu.memory_space<hbm>> -> memref<80x128xi32, #tpu.memory_space<hbm>>
      %dma_wait3A_25 = arith.constant 0 : i32
      %dma_wait3A_26 = arith.constant 0 : i32
      %dma_wait3A_27 = tpu.memref_slice %arg3[%add3A, %dma_wait3A_25, %dma_wait3A_26] : memref<32x80x128xi32, #tpu.memory_space<hbm>> -> memref<1x80x128xi32, #tpu.memory_space<hbm>>
      %dma_wait3A_28 = tpu.memref_squeeze %dma_wait3A_27 : memref<1x80x128xi32, #tpu.memory_space<hbm>> -> memref<80x128xi32, #tpu.memory_space<hbm>>
      tpu.wait_dma2 semaphore(%run_scoped3A : memref<!tpu.dma_semaphore, #tpu.memory_space<semaphore_mem>>) src(%dma_wait3A_28 : memref<80x128xi32, #tpu.memory_space<hbm>>) dst(%arg7 : memref<80x128xi32, #tpu.memory_space<vmem>>)
      tpu.yield
    }) : () -> ()
    "tpu.region"() ({
      %run_scoped3A = tpu.sem_alloc : memref<!tpu.dma_semaphore, #tpu.memory_space<semaphore_mem>>
      %dma_start3A = arith.constant 0 : i32
      %dma_start3A_15 = arith.constant 0 : i32
      %dma_start3A_16 = tpu.memref_slice %arg4[%add3A, %dma_start3A, %dma_start3A_15] : memref<32x80x128xi32, #tpu.memory_space<hbm>> -> memref<1x80x128xi32, #tpu.memory_space<hbm>>
      %dma_start3A_17 = tpu.memref_squeeze %dma_start3A_16 : memref<1x80x128xi32, #tpu.memory_space<hbm>> -> memref<80x128xi32, #tpu.memory_space<hbm>>
      %dma_start3A_18 = arith.constant 0 : i32
      %dma_start3A_19 = arith.constant 0 : i32
      %dma_start3A_20 = tpu.memref_slice %arg4[%add3A, %dma_start3A_18, %dma_start3A_19] : memref<32x80x128xi32, #tpu.memory_space<hbm>> -> memref<1x80x128xi32, #tpu.memory_space<hbm>>
      %dma_start3A_21 = tpu.memref_squeeze %dma_start3A_20 : memref<1x80x128xi32, #tpu.memory_space<hbm>> -> memref<80x128xi32, #tpu.memory_space<hbm>>
      tpu.enqueue_dma source(%dma_start3A_21 : memref<80x128xi32, #tpu.memory_space<hbm>>) target(%arg8 : memref<80x128xi32, #tpu.memory_space<vmem>>) target_semaphore(%run_scoped3A : memref<!tpu.dma_semaphore, #tpu.memory_space<semaphore_mem>>)
      %dma_wait3A = arith.constant 0 : i32
      %dma_wait3A_22 = arith.constant 0 : i32
      %dma_wait3A_23 = tpu.memref_slice %arg4[%add3A, %dma_wait3A, %dma_wait3A_22] : memref<32x80x128xi32, #tpu.memory_space<hbm>> -> memref<1x80x128xi32, #tpu.memory_space<hbm>>
      %dma_wait3A_24 = tpu.memref_squeeze %dma_wait3A_23 : memref<1x80x128xi32, #tpu.memory_space<hbm>> -> memref<80x128xi32, #tpu.memory_space<hbm>>
      %dma_wait3A_25 = arith.constant 0 : i32
      %dma_wait3A_26 = arith.constant 0 : i32
      %dma_wait3A_27 = tpu.memref_slice %arg4[%add3A, %dma_wait3A_25, %dma_wait3A_26] : memref<32x80x128xi32, #tpu.memory_space<hbm>> -> memref<1x80x128xi32, #tpu.memory_space<hbm>>
      %dma_wait3A_28 = tpu.memref_squeeze %dma_wait3A_27 : memref<1x80x128xi32, #tpu.memory_space<hbm>> -> memref<80x128xi32, #tpu.memory_space<hbm>>
      tpu.wait_dma2 semaphore(%run_scoped3A : memref<!tpu.dma_semaphore, #tpu.memory_space<semaphore_mem>>) src(%dma_wait3A_28 : memref<80x128xi32, #tpu.memory_space<hbm>>) dst(%arg8 : memref<80x128xi32, #tpu.memory_space<vmem>>)
      tpu.yield
    }) : () -> ()
    %mul3A_1 = arith.constant 632 : i32
    %mul3A_2 = arith.muli %arg1, %mul3A_1 : i32
    %mul3A_3 = arith.constant 632 : i32
    %mul3A_4 = arith.muli %arg1, %mul3A_3 : i32
    "tpu.region"() ({
      %run_scoped3A = tpu.sem_alloc : memref<!tpu.dma_semaphore, #tpu.memory_space<semaphore_mem>>
      %dma_start3A = arith.constant 0 : i32
      %dma_start3A_15 = tpu.memref_slice %arg10[%mul3A_4, %dma_start3A] : memref<10112x128xf32, #tpu.memory_space<vmem_shared>> -> memref<632x128xf32, #tpu.memory_space<vmem_shared>>
      %dma_start3A_16 = arith.constant 0 : i32
      %dma_start3A_17 = tpu.memref_slice %arg5[%mul3A_2, %dma_start3A_16] : memref<10112x128xf32, #tpu.memory_space<hbm>> -> memref<632x128xf32, #tpu.memory_space<hbm>>
      tpu.enqueue_dma source(%dma_start3A_17 : memref<632x128xf32, #tpu.memory_space<hbm>>) target(%dma_start3A_15 : memref<632x128xf32, #tpu.memory_space<vmem_shared>>) target_semaphore(%run_scoped3A : memref<!tpu.dma_semaphore, #tpu.memory_space<semaphore_mem>>)
      %dma_wait3A = arith.constant 0 : i32
      %dma_wait3A_18 = tpu.memref_slice %arg10[%mul3A_4, %dma_wait3A] : memref<10112x128xf32, #tpu.memory_space<vmem_shared>> -> memref<632x128xf32, #tpu.memory_space<vmem_shared>>
      %dma_wait3A_19 = arith.constant 0 : i32
      %dma_wait3A_20 = tpu.memref_slice %arg5[%mul3A_2, %dma_wait3A_19] : memref<10112x128xf32, #tpu.memory_space<hbm>> -> memref<632x128xf32, #tpu.memory_space<hbm>>
      tpu.wait_dma2 semaphore(%run_scoped3A : memref<!tpu.dma_semaphore, #tpu.memory_space<semaphore_mem>>) src(%dma_wait3A_20 : memref<632x128xf32, #tpu.memory_space<hbm>>) dst(%dma_wait3A_18 : memref<632x128xf32, #tpu.memory_space<vmem_shared>>)
      tpu.yield
    }) : () -> ()
    %barrier3A = arith.constant 0 : index
    tpu.barrier barrier_id(%barrier3A)
    %scan3A = arith.constant 0 : i32
    %scan3A_5 = arith.constant 0 : i32
    %scan3A_6 = arith.constant 80 : i32
    %scan3A_7 = arith.addi %scan3A_5, %scan3A_6 : i32
    %scan3A_8 = arith.constant 1 : i32
    scf.for %scan3A_15 = %scan3A_5 to %scan3A_7 step %scan3A_8  : i32 {
      "tpu.region"() ({
        %run_scoped3A = tpu.sem_alloc : memref<!tpu.dma_semaphore, #tpu.memory_space<semaphore_mem>>
        %dma_start3A = arith.constant 0 : i32
        %dma_start3A_16 = tpu.memref_slice %arg7[%scan3A_15, %dma_start3A] : memref<80x128xi32, #tpu.memory_space<vmem>> -> memref<1x128xi32, #tpu.memory_space<vmem>>
        %dma_start3A_17 = tpu.memref_squeeze %dma_start3A_16 : memref<1x128xi32, #tpu.memory_space<vmem>> -> memref<128xi32, #tpu.memory_space<vmem>>
        %dma_start3A_18 = arith.constant 0 : i32
        %dma_start3A_19 = arith.constant 0 : i32
        %dma_start3A_20 = tpu.memref_slice %arg2[%dma_start3A_18, %dma_start3A_19] : memref<10000x128xf32, #tpu.memory_space<hbm>> -> memref<10000x128xf32, #tpu.memory_space<hbm>>
        tpu.enqueue_indirect_dma source(%dma_start3A_20 : memref<10000x128xf32, #tpu.memory_space<hbm>>) target(%arg9 : memref<128x128xf32, #tpu.memory_space<vmem>>) offsets(%dma_start3A_17 : memref<128xi32, #tpu.memory_space<vmem>>) semaphore(%run_scoped3A : memref<!tpu.dma_semaphore, #tpu.memory_space<semaphore_mem>>)
        %dma_wait3A = arith.constant 0 : i32
        %dma_wait3A_21 = tpu.memref_slice %arg7[%scan3A_15, %dma_wait3A] : memref<80x128xi32, #tpu.memory_space<vmem>> -> memref<1x128xi32, #tpu.memory_space<vmem>>
        %dma_wait3A_22 = tpu.memref_squeeze %dma_wait3A_21 : memref<1x128xi32, #tpu.memory_space<vmem>> -> memref<128xi32, #tpu.memory_space<vmem>>
        %dma_wait3A_23 = arith.constant 0 : i32
        %dma_wait3A_24 = arith.constant 0 : i32
        %dma_wait3A_25 = tpu.memref_slice %arg2[%dma_wait3A_23, %dma_wait3A_24] : memref<10000x128xf32, #tpu.memory_space<hbm>> -> memref<10000x128xf32, #tpu.memory_space<hbm>>
        tpu.wait_indirect_dma semaphore(%run_scoped3A : memref<!tpu.dma_semaphore, #tpu.memory_space<semaphore_mem>>) src(%dma_wait3A_25 : memref<10000x128xf32, #tpu.memory_space<hbm>>) dst(%arg9 : memref<128x128xf32, #tpu.memory_space<vmem>>)
        tpu.yield
      }) : () -> ()
      "tpu.region"() ({
        %run_scoped3A = tpu.sem_alloc : memref<!tpu.dma_semaphore, #tpu.memory_space<semaphore_mem>>
        %dma_start3A = arith.constant 0 : i32
        %dma_start3A_16 = tpu.memref_slice %arg8[%scan3A_15, %dma_start3A] : memref<80x128xi32, #tpu.memory_space<vmem>> -> memref<1x128xi32, #tpu.memory_space<vmem>>
        %dma_start3A_17 = tpu.memref_squeeze %dma_start3A_16 : memref<1x128xi32, #tpu.memory_space<vmem>> -> memref<128xi32, #tpu.memory_space<vmem>>
        %dma_start3A_18 = arith.constant 0 : i32
        %dma_start3A_19 = arith.constant 0 : i32
        %dma_start3A_20 = tpu.memref_slice %arg10[%dma_start3A_18, %dma_start3A_19] : memref<10112x128xf32, #tpu.memory_space<vmem_shared>> -> memref<10112x128xf32, #tpu.memory_space<vmem_shared>>
        tpu.enqueue_indirect_dma source(%arg9 : memref<128x128xf32, #tpu.memory_space<vmem>>) target(%dma_start3A_20 : memref<10112x128xf32, #tpu.memory_space<vmem_shared>>) offsets(%dma_start3A_17 : memref<128xi32, #tpu.memory_space<vmem>>) semaphore(%run_scoped3A : memref<!tpu.dma_semaphore, #tpu.memory_space<semaphore_mem>>) {add = true}
        %dma_wait3A = arith.constant 0 : i32
        %dma_wait3A_21 = tpu.memref_slice %arg8[%scan3A_15, %dma_wait3A] : memref<80x128xi32, #tpu.memory_space<vmem>> -> memref<1x128xi32, #tpu.memory_space<vmem>>
        %dma_wait3A_22 = tpu.memref_squeeze %dma_wait3A_21 : memref<1x128xi32, #tpu.memory_space<vmem>> -> memref<128xi32, #tpu.memory_space<vmem>>
        %dma_wait3A_23 = arith.constant 0 : i32
        %dma_wait3A_24 = arith.constant 0 : i32
        %dma_wait3A_25 = tpu.memref_slice %arg10[%dma_wait3A_23, %dma_wait3A_24] : memref<10112x128xf32, #tpu.memory_space<vmem_shared>> -> memref<10112x128xf32, #tpu.memory_space<vmem_shared>>
        tpu.wait_indirect_dma semaphore(%run_scoped3A : memref<!tpu.dma_semaphore, #tpu.memory_space<semaphore_mem>>) src(%arg9 : memref<128x128xf32, #tpu.memory_space<vmem>>) dst(%dma_wait3A_25 : memref<10112x128xf32, #tpu.memory_space<vmem_shared>>)
        tpu.yield
      }) : () -> ()
    }
    %scan3A_9 = arith.constant 80 : i32
    %barrier3A_10 = arith.constant 0 : index
    tpu.barrier barrier_id(%barrier3A_10)
    %mul3A_11 = arith.constant 632 : i32
    %mul3A_12 = arith.muli %arg1, %mul3A_11 : i32
    %mul3A_13 = arith.constant 632 : i32
    %mul3A_14 = arith.muli %arg1, %mul3A_13 : i32
    "tpu.region"() ({
      %run_scoped3A = tpu.sem_alloc : memref<!tpu.dma_semaphore, #tpu.memory_space<semaphore_mem>>
      %dma_start3A = arith.constant 0 : i32
      %dma_start3A_15 = tpu.memref_slice %arg6[%arg0, %mul3A_14, %dma_start3A] : memref<2x10112x128xf32, #tpu.memory_space<hbm>> -> memref<1x632x128xf32, #tpu.memory_space<hbm>>
      %dma_start3A_16 = tpu.memref_squeeze %dma_start3A_15 : memref<1x632x128xf32, #tpu.memory_space<hbm>> -> memref<632x128xf32, #tpu.memory_space<hbm>>
      %dma_start3A_17 = arith.constant 0 : i32
      %dma_start3A_18 = tpu.memref_slice %arg10[%mul3A_12, %dma_start3A_17] : memref<10112x128xf32, #tpu.memory_space<vmem_shared>> -> memref<632x128xf32, #tpu.memory_space<vmem_shared>>
      tpu.enqueue_dma source(%dma_start3A_18 : memref<632x128xf32, #tpu.memory_space<vmem_shared>>) target(%dma_start3A_16 : memref<632x128xf32, #tpu.memory_space<hbm>>) target_semaphore(%run_scoped3A : memref<!tpu.dma_semaphore, #tpu.memory_space<semaphore_mem>>)
      %dma_wait3A = arith.constant 0 : i32
      %dma_wait3A_19 = tpu.memref_slice %arg6[%arg0, %mul3A_14, %dma_wait3A] : memref<2x10112x128xf32, #tpu.memory_space<hbm>> -> memref<1x632x128xf32, #tpu.memory_space<hbm>>
      %dma_wait3A_20 = tpu.memref_squeeze %dma_wait3A_19 : memref<1x632x128xf32, #tpu.memory_space<hbm>> -> memref<632x128xf32, #tpu.memory_space<hbm>>
      %dma_wait3A_21 = arith.constant 0 : i32
      %dma_wait3A_22 = tpu.memref_slice %arg10[%mul3A_12, %dma_wait3A_21] : memref<10112x128xf32, #tpu.memory_space<vmem_shared>> -> memref<632x128xf32, #tpu.memory_space<vmem_shared>>
      tpu.wait_dma2 semaphore(%run_scoped3A : memref<!tpu.dma_semaphore, #tpu.memory_space<semaphore_mem>>) src(%dma_wait3A_22 : memref<632x128xf32, #tpu.memory_space<vmem_shared>>) dst(%dma_wait3A_20 : memref<632x128xf32, #tpu.memory_space<hbm>>)
      tpu.yield
    }) : () -> ()
    return
  }
}

#map = affine_map<(d0, d1) -> (0, 0)>
#map1 = affine_map<(d0, d1) -> (0, 0, 0)>
module attributes {stable_mosaic.version = 14 : i64} {
  func.func @_sc_agg_body(%arg0: i32, %arg1: i32, %arg2: memref<10000x128xf32, #tpu.memory_space<hbm>>, %arg3: memref<32x80x128xi32, #tpu.memory_space<hbm>>, %arg4: memref<32x80x128xi32, #tpu.memory_space<hbm>>, %arg5: memref<10112x128xf32, #tpu.memory_space<hbm>>, %arg6: memref<2x10112x128xf32, #tpu.memory_space<hbm>>, %arg7: memref<80x128xi32, #tpu.memory_space<vmem>>, %arg8: memref<80x128xi32, #tpu.memory_space<vmem>>, %arg9: memref<128x128xf32, #tpu.memory_space<vmem>>, %arg10: memref<10112x128xf32, #tpu.memory_space<vmem_shared>>, %arg11: memref<!tpu.dma_semaphore, #tpu.memory_space<semaphore_mem>>) attributes {dimension_semantics = [#tpu.dimension_semantics<core_parallel>, #tpu.dimension_semantics<subcore_parallel>], iteration_bounds = array<i64: 2, 16>, scalar_prefetch = 0 : i64, scratch_operands = 5 : i64, tpu.core_type = #tpu.core_type<sc_vector_subcore>, window_params = [{transform_indices = #map}, {transform_indices = #map1}, {transform_indices = #map1}, {transform_indices = #map}, {transform_indices = #map1}]} {
    %mul3A = arith.constant 2 : i32
    %mul3A_0 = arith.muli %arg1, %mul3A : i32
    %add3A = arith.addi %mul3A_0, %arg0 : i32
    "tpu.region"() ({
      %run_scoped3A = tpu.sem_alloc : memref<!tpu.dma_semaphore, #tpu.memory_space<semaphore_mem>>
      %dma_start3A = arith.constant 0 : i32
      %dma_start3A_15 = arith.constant 0 : i32
      %dma_start3A_16 = tpu.memref_slice %arg3[%add3A, %dma_start3A, %dma_start3A_15] : memref<32x80x128xi32, #tpu.memory_space<hbm>> -> memref<1x80x128xi32, #tpu.memory_space<hbm>>
      %dma_start3A_17 = tpu.memref_squeeze %dma_start3A_16 : memref<1x80x128xi32, #tpu.memory_space<hbm>> -> memref<80x128xi32, #tpu.memory_space<hbm>>
      %dma_start3A_18 = arith.constant 0 : i32
      %dma_start3A_19 = arith.constant 0 : i32
      %dma_start3A_20 = tpu.memref_slice %arg3[%add3A, %dma_start3A_18, %dma_start3A_19] : memref<32x80x128xi32, #tpu.memory_space<hbm>> -> memref<1x80x128xi32, #tpu.memory_space<hbm>>
      %dma_start3A_21 = tpu.memref_squeeze %dma_start3A_20 : memref<1x80x128xi32, #tpu.memory_space<hbm>> -> memref<80x128xi32, #tpu.memory_space<hbm>>
      tpu.enqueue_dma source(%dma_start3A_21 : memref<80x128xi32, #tpu.memory_space<hbm>>) target(%arg7 : memref<80x128xi32, #tpu.memory_space<vmem>>) target_semaphore(%run_scoped3A : memref<!tpu.dma_semaphore, #tpu.memory_space<semaphore_mem>>)
      %dma_wait3A = arith.constant 0 : i32
      %dma_wait3A_22 = arith.constant 0 : i32
      %dma_wait3A_23 = tpu.memref_slice %arg3[%add3A, %dma_wait3A, %dma_wait3A_22] : memref<32x80x128xi32, #tpu.memory_space<hbm>> -> memref<1x80x128xi32, #tpu.memory_space<hbm>>
      %dma_wait3A_24 = tpu.memref_squeeze %dma_wait3A_23 : memref<1x80x128xi32, #tpu.memory_space<hbm>> -> memref<80x128xi32, #tpu.memory_space<hbm>>
      %dma_wait3A_25 = arith.constant 0 : i32
      %dma_wait3A_26 = arith.constant 0 : i32
      %dma_wait3A_27 = tpu.memref_slice %arg3[%add3A, %dma_wait3A_25, %dma_wait3A_26] : memref<32x80x128xi32, #tpu.memory_space<hbm>> -> memref<1x80x128xi32, #tpu.memory_space<hbm>>
      %dma_wait3A_28 = tpu.memref_squeeze %dma_wait3A_27 : memref<1x80x128xi32, #tpu.memory_space<hbm>> -> memref<80x128xi32, #tpu.memory_space<hbm>>
      tpu.wait_dma2 semaphore(%run_scoped3A : memref<!tpu.dma_semaphore, #tpu.memory_space<semaphore_mem>>) src(%dma_wait3A_28 : memref<80x128xi32, #tpu.memory_space<hbm>>) dst(%arg7 : memref<80x128xi32, #tpu.memory_space<vmem>>)
      tpu.yield
    }) : () -> ()
    "tpu.region"() ({
      %run_scoped3A = tpu.sem_alloc : memref<!tpu.dma_semaphore, #tpu.memory_space<semaphore_mem>>
      %dma_start3A = arith.constant 0 : i32
      %dma_start3A_15 = arith.constant 0 : i32
      %dma_start3A_16 = tpu.memref_slice %arg4[%add3A, %dma_start3A, %dma_start3A_15] : memref<32x80x128xi32, #tpu.memory_space<hbm>> -> memref<1x80x128xi32, #tpu.memory_space<hbm>>
      %dma_start3A_17 = tpu.memref_squeeze %dma_start3A_16 : memref<1x80x128xi32, #tpu.memory_space<hbm>> -> memref<80x128xi32, #tpu.memory_space<hbm>>
      %dma_start3A_18 = arith.constant 0 : i32
      %dma_start3A_19 = arith.constant 0 : i32
      %dma_start3A_20 = tpu.memref_slice %arg4[%add3A, %dma_start3A_18, %dma_start3A_19] : memref<32x80x128xi32, #tpu.memory_space<hbm>> -> memref<1x80x128xi32, #tpu.memory_space<hbm>>
      %dma_start3A_21 = tpu.memref_squeeze %dma_start3A_20 : memref<1x80x128xi32, #tpu.memory_space<hbm>> -> memref<80x128xi32, #tpu.memory_space<hbm>>
      tpu.enqueue_dma source(%dma_start3A_21 : memref<80x128xi32, #tpu.memory_space<hbm>>) target(%arg8 : memref<80x128xi32, #tpu.memory_space<vmem>>) target_semaphore(%run_scoped3A : memref<!tpu.dma_semaphore, #tpu.memory_space<semaphore_mem>>)
      %dma_wait3A = arith.constant 0 : i32
      %dma_wait3A_22 = arith.constant 0 : i32
      %dma_wait3A_23 = tpu.memref_slice %arg4[%add3A, %dma_wait3A, %dma_wait3A_22] : memref<32x80x128xi32, #tpu.memory_space<hbm>> -> memref<1x80x128xi32, #tpu.memory_space<hbm>>
      %dma_wait3A_24 = tpu.memref_squeeze %dma_wait3A_23 : memref<1x80x128xi32, #tpu.memory_space<hbm>> -> memref<80x128xi32, #tpu.memory_space<hbm>>
      %dma_wait3A_25 = arith.constant 0 : i32
      %dma_wait3A_26 = arith.constant 0 : i32
      %dma_wait3A_27 = tpu.memref_slice %arg4[%add3A, %dma_wait3A_25, %dma_wait3A_26] : memref<32x80x128xi32, #tpu.memory_space<hbm>> -> memref<1x80x128xi32, #tpu.memory_space<hbm>>
      %dma_wait3A_28 = tpu.memref_squeeze %dma_wait3A_27 : memref<1x80x128xi32, #tpu.memory_space<hbm>> -> memref<80x128xi32, #tpu.memory_space<hbm>>
      tpu.wait_dma2 semaphore(%run_scoped3A : memref<!tpu.dma_semaphore, #tpu.memory_space<semaphore_mem>>) src(%dma_wait3A_28 : memref<80x128xi32, #tpu.memory_space<hbm>>) dst(%arg8 : memref<80x128xi32, #tpu.memory_space<vmem>>)
      tpu.yield
    }) : () -> ()
    %mul3A_1 = arith.constant 632 : i32
    %mul3A_2 = arith.muli %arg1, %mul3A_1 : i32
    %mul3A_3 = arith.constant 632 : i32
    %mul3A_4 = arith.muli %arg1, %mul3A_3 : i32
    "tpu.region"() ({
      %run_scoped3A = tpu.sem_alloc : memref<!tpu.dma_semaphore, #tpu.memory_space<semaphore_mem>>
      %dma_start3A = arith.constant 0 : i32
      %dma_start3A_15 = tpu.memref_slice %arg10[%mul3A_4, %dma_start3A] : memref<10112x128xf32, #tpu.memory_space<vmem_shared>> -> memref<632x128xf32, #tpu.memory_space<vmem_shared>>
      %dma_start3A_16 = arith.constant 0 : i32
      %dma_start3A_17 = tpu.memref_slice %arg5[%mul3A_2, %dma_start3A_16] : memref<10112x128xf32, #tpu.memory_space<hbm>> -> memref<632x128xf32, #tpu.memory_space<hbm>>
      tpu.enqueue_dma source(%dma_start3A_17 : memref<632x128xf32, #tpu.memory_space<hbm>>) target(%dma_start3A_15 : memref<632x128xf32, #tpu.memory_space<vmem_shared>>) target_semaphore(%run_scoped3A : memref<!tpu.dma_semaphore, #tpu.memory_space<semaphore_mem>>)
      %dma_wait3A = arith.constant 0 : i32
      %dma_wait3A_18 = tpu.memref_slice %arg10[%mul3A_4, %dma_wait3A] : memref<10112x128xf32, #tpu.memory_space<vmem_shared>> -> memref<632x128xf32, #tpu.memory_space<vmem_shared>>
      %dma_wait3A_19 = arith.constant 0 : i32
      %dma_wait3A_20 = tpu.memref_slice %arg5[%mul3A_2, %dma_wait3A_19] : memref<10112x128xf32, #tpu.memory_space<hbm>> -> memref<632x128xf32, #tpu.memory_space<hbm>>
      tpu.wait_dma2 semaphore(%run_scoped3A : memref<!tpu.dma_semaphore, #tpu.memory_space<semaphore_mem>>) src(%dma_wait3A_20 : memref<632x128xf32, #tpu.memory_space<hbm>>) dst(%dma_wait3A_18 : memref<632x128xf32, #tpu.memory_space<vmem_shared>>)
      tpu.yield
    }) : () -> ()
    %barrier3A = arith.constant 0 : index
    tpu.barrier barrier_id(%barrier3A)
    %scan3A = arith.constant 0 : i32
    %scan3A_5 = arith.constant 0 : i32
    %scan3A_6 = arith.constant 80 : i32
    %scan3A_7 = arith.addi %scan3A_5, %scan3A_6 : i32
    %scan3A_8 = arith.constant 1 : i32
    scf.for %scan3A_15 = %scan3A_5 to %scan3A_7 step %scan3A_8  : i32 {
      "tpu.region"() ({
        %run_scoped3A = tpu.sem_alloc : memref<!tpu.dma_semaphore, #tpu.memory_space<semaphore_mem>>
        %dma_start3A = arith.constant 0 : i32
        %dma_start3A_16 = tpu.memref_slice %arg7[%scan3A_15, %dma_start3A] : memref<80x128xi32, #tpu.memory_space<vmem>> -> memref<1x128xi32, #tpu.memory_space<vmem>>
        %dma_start3A_17 = tpu.memref_squeeze %dma_start3A_16 : memref<1x128xi32, #tpu.memory_space<vmem>> -> memref<128xi32, #tpu.memory_space<vmem>>
        %dma_start3A_18 = arith.constant 0 : i32
        %dma_start3A_19 = arith.constant 0 : i32
        %dma_start3A_20 = tpu.memref_slice %arg2[%dma_start3A_18, %dma_start3A_19] : memref<10000x128xf32, #tpu.memory_space<hbm>> -> memref<10000x128xf32, #tpu.memory_space<hbm>>
        tpu.enqueue_indirect_dma source(%dma_start3A_20 : memref<10000x128xf32, #tpu.memory_space<hbm>>) target(%arg9 : memref<128x128xf32, #tpu.memory_space<vmem>>) offsets(%dma_start3A_17 : memref<128xi32, #tpu.memory_space<vmem>>) semaphore(%run_scoped3A : memref<!tpu.dma_semaphore, #tpu.memory_space<semaphore_mem>>)
        %dma_wait3A = arith.constant 0 : i32
        %dma_wait3A_21 = tpu.memref_slice %arg7[%scan3A_15, %dma_wait3A] : memref<80x128xi32, #tpu.memory_space<vmem>> -> memref<1x128xi32, #tpu.memory_space<vmem>>
        %dma_wait3A_22 = tpu.memref_squeeze %dma_wait3A_21 : memref<1x128xi32, #tpu.memory_space<vmem>> -> memref<128xi32, #tpu.memory_space<vmem>>
        %dma_wait3A_23 = arith.constant 0 : i32
        %dma_wait3A_24 = arith.constant 0 : i32
        %dma_wait3A_25 = tpu.memref_slice %arg2[%dma_wait3A_23, %dma_wait3A_24] : memref<10000x128xf32, #tpu.memory_space<hbm>> -> memref<10000x128xf32, #tpu.memory_space<hbm>>
        tpu.wait_indirect_dma semaphore(%run_scoped3A : memref<!tpu.dma_semaphore, #tpu.memory_space<semaphore_mem>>) src(%dma_wait3A_25 : memref<10000x128xf32, #tpu.memory_space<hbm>>) dst(%arg9 : memref<128x128xf32, #tpu.memory_space<vmem>>)
        tpu.yield
      }) : () -> ()
      "tpu.region"() ({
        %run_scoped3A = tpu.sem_alloc : memref<!tpu.dma_semaphore, #tpu.memory_space<semaphore_mem>>
        %dma_start3A = arith.constant 0 : i32
        %dma_start3A_16 = tpu.memref_slice %arg8[%scan3A_15, %dma_start3A] : memref<80x128xi32, #tpu.memory_space<vmem>> -> memref<1x128xi32, #tpu.memory_space<vmem>>
        %dma_start3A_17 = tpu.memref_squeeze %dma_start3A_16 : memref<1x128xi32, #tpu.memory_space<vmem>> -> memref<128xi32, #tpu.memory_space<vmem>>
        %dma_start3A_18 = arith.constant 0 : i32
        %dma_start3A_19 = arith.constant 0 : i32
        %dma_start3A_20 = tpu.memref_slice %arg10[%dma_start3A_18, %dma_start3A_19] : memref<10112x128xf32, #tpu.memory_space<vmem_shared>> -> memref<10112x128xf32, #tpu.memory_space<vmem_shared>>
        tpu.enqueue_indirect_dma source(%arg9 : memref<128x128xf32, #tpu.memory_space<vmem>>) target(%dma_start3A_20 : memref<10112x128xf32, #tpu.memory_space<vmem_shared>>) offsets(%dma_start3A_17 : memref<128xi32, #tpu.memory_space<vmem>>) semaphore(%run_scoped3A : memref<!tpu.dma_semaphore, #tpu.memory_space<semaphore_mem>>) {add = true}
        %dma_wait3A = arith.constant 0 : i32
        %dma_wait3A_21 = tpu.memref_slice %arg8[%scan3A_15, %dma_wait3A] : memref<80x128xi32, #tpu.memory_space<vmem>> -> memref<1x128xi32, #tpu.memory_space<vmem>>
        %dma_wait3A_22 = tpu.memref_squeeze %dma_wait3A_21 : memref<1x128xi32, #tpu.memory_space<vmem>> -> memref<128xi32, #tpu.memory_space<vmem>>
        %dma_wait3A_23 = arith.constant 0 : i32
        %dma_wait3A_24 = arith.constant 0 : i32
        %dma_wait3A_25 = tpu.memref_slice %arg10[%dma_wait3A_23, %dma_wait3A_24] : memref<10112x128xf32, #tpu.memory_space<vmem_shared>> -> memref<10112x128xf32, #tpu.memory_space<vmem_shared>>
        tpu.wait_indirect_dma semaphore(%run_scoped3A : memref<!tpu.dma_semaphore, #tpu.memory_space<semaphore_mem>>) src(%arg9 : memref<128x128xf32, #tpu.memory_space<vmem>>) dst(%dma_wait3A_25 : memref<10112x128xf32, #tpu.memory_space<vmem_shared>>)
        tpu.yield
      }) : () -> ()
    }
    %scan3A_9 = arith.constant 80 : i32
    %barrier3A_10 = arith.constant 0 : index
    tpu.barrier barrier_id(%barrier3A_10)
    %mul3A_11 = arith.constant 632 : i32
    %mul3A_12 = arith.muli %arg1, %mul3A_11 : i32
    %mul3A_13 = arith.constant 632 : i32
    %mul3A_14 = arith.muli %arg1, %mul3A_13 : i32
    "tpu.region"() ({
      %run_scoped3A = tpu.sem_alloc : memref<!tpu.dma_semaphore, #tpu.memory_space<semaphore_mem>>
      %dma_start3A = arith.constant 0 : i32
      %dma_start3A_15 = tpu.memref_slice %arg6[%arg0, %mul3A_14, %dma_start3A] : memref<2x10112x128xf32, #tpu.memory_space<hbm>> -> memref<1x632x128xf32, #tpu.memory_space<hbm>>
      %dma_start3A_16 = tpu.memref_squeeze %dma_start3A_15 : memref<1x632x128xf32, #tpu.memory_space<hbm>> -> memref<632x128xf32, #tpu.memory_space<hbm>>
      %dma_start3A_17 = arith.constant 0 : i32
      %dma_start3A_18 = tpu.memref_slice %arg10[%mul3A_12, %dma_start3A_17] : memref<10112x128xf32, #tpu.memory_space<vmem_shared>> -> memref<632x128xf32, #tpu.memory_space<vmem_shared>>
      tpu.enqueue_dma source(%dma_start3A_18 : memref<632x128xf32, #tpu.memory_space<vmem_shared>>) target(%dma_start3A_16 : memref<632x128xf32, #tpu.memory_space<hbm>>) target_semaphore(%run_scoped3A : memref<!tpu.dma_semaphore, #tpu.memory_space<semaphore_mem>>)
      %dma_wait3A = arith.constant 0 : i32
      %dma_wait3A_19 = tpu.memref_slice %arg6[%arg0, %mul3A_14, %dma_wait3A] : memref<2x10112x128xf32, #tpu.memory_space<hbm>> -> memref<1x632x128xf32, #tpu.memory_space<hbm>>
      %dma_wait3A_20 = tpu.memref_squeeze %dma_wait3A_19 : memref<1x632x128xf32, #tpu.memory_space<hbm>> -> memref<632x128xf32, #tpu.memory_space<hbm>>
      %dma_wait3A_21 = arith.constant 0 : i32
      %dma_wait3A_22 = tpu.memref_slice %arg10[%mul3A_12, %dma_wait3A_21] : memref<10112x128xf32, #tpu.memory_space<vmem_shared>> -> memref<632x128xf32, #tpu.memory_space<vmem_shared>>
      tpu.wait_dma2 semaphore(%run_scoped3A : memref<!tpu.dma_semaphore, #tpu.memory_space<semaphore_mem>>) src(%dma_wait3A_22 : memref<632x128xf32, #tpu.memory_space<vmem_shared>>) dst(%dma_wait3A_20 : memref<632x128xf32, #tpu.memory_space<hbm>>)
      tpu.yield
    }) : () -> ()
    return
  }
}

module attributes {stable_mosaic.version = 14 : i64} {
  func.func @_mm_body(%arg0: i32, %arg1: memref<2000x128xf32, #tpu.memory_space<vmem>>, %arg2: memref<128x128xf32, #tpu.memory_space<vmem>>, %arg3: memref<128x128xf32, #tpu.memory_space<vmem>>, %arg4: memref<1x128xf32, #tpu.memory_space<vmem>>, %arg5: memref<2000x128xf32, #tpu.memory_space<vmem>>, %arg6: memref<2000x128xf32, #tpu.memory_space<vmem>>) attributes {dimension_semantics = [#tpu.dimension_semantics<arbitrary>], iteration_bounds = array<i64: 5>, scalar_prefetch = 0 : i64, scratch_operands = 0 : i64, tpu.core_type = #tpu.core_type<tc>, window_params = [{transform_indices = @transform_0, window_bounds = array<i64: 2000, 128>}, {pipeline_mode = #tpu.pipeline_mode<synchronous>, transform_indices = @transform_1, window_bounds = array<i64: 128, 128>}, {pipeline_mode = #tpu.pipeline_mode<synchronous>, transform_indices = @transform_2, window_bounds = array<i64: 128, 128>}, {pipeline_mode = #tpu.pipeline_mode<synchronous>, transform_indices = @transform_3, window_bounds = array<i64: 1, 128>}, {transform_indices = @transform_4, window_bounds = array<i64: 2000, 128>}, {transform_indices = @transform_5, window_bounds = array<i64: 2000, 128>}]} {
    %get3A = arith.constant 0 : index
    %get3A_0 = arith.constant 0 : index
    %get3A_1 = vector.load %arg1[%get3A, %get3A_0] : memref<2000x128xf32, #tpu.memory_space<vmem>>, vector<2000x128xf32>
    %get3A_2 = arith.constant 0 : index
    %get3A_3 = arith.constant 0 : index
    %get3A_4 = vector.load %arg2[%get3A_2, %get3A_3] : memref<128x128xf32, #tpu.memory_space<vmem>>, vector<128x128xf32>
    %dot_general3A = arith.constant dense<0.000000e+00> : vector<2000x128xf32>
    %dot_general3A_5 = tpu.matmul %get3A_1, %get3A_4, %dot_general3A {dimension_numbers = #tpu.dot_dimension_numbers<[1], [0], [0], [1], [0, 0, 1, 1], [], []>, transpose_lhs_hint = false} : vector<2000x128xf32>, vector<128x128xf32>, vector<2000x128xf32> -> vector<2000x128xf32>
    %swap3A = arith.constant 0 : index
    %swap3A_6 = arith.constant 0 : index
    %swap3A_7 = vector.load %arg5[%swap3A, %swap3A_6] : memref<2000x128xf32, #tpu.memory_space<vmem>>, vector<2000x128xf32>
    tpu.vector_store %arg5[%swap3A, %swap3A_6], %dot_general3A_5 {strides = array<i32>} : memref<2000x128xf32, #tpu.memory_space<vmem>>, vector<2000x128xf32>,
    %get3A_8 = arith.constant 0 : index
    %get3A_9 = arith.constant 0 : index
    %get3A_10 = vector.load %arg3[%get3A_8, %get3A_9] : memref<128x128xf32, #tpu.memory_space<vmem>>, vector<128x128xf32>
    %dot_general3A_11 = arith.constant dense<0.000000e+00> : vector<2000x128xf32>
    %dot_general3A_12 = tpu.matmul %get3A_1, %get3A_10, %dot_general3A_11 {dimension_numbers = #tpu.dot_dimension_numbers<[1], [0], [0], [1], [0, 0, 1, 1], [], []>, transpose_lhs_hint = false} : vector<2000x128xf32>, vector<128x128xf32>, vector<2000x128xf32> -> vector<2000x128xf32>
    %get3A_13 = arith.constant 0 : index
    %get3A_14 = arith.constant 0 : index
    %get3A_15 = vector.load %arg4[%get3A_13, %get3A_14] : memref<1x128xf32, #tpu.memory_space<vmem>>, vector<1x128xf32>
    %add3A = vector.broadcast %get3A_15 : vector<1x128xf32> to vector<2000x128xf32>
    %add3A_16 = arith.addf %dot_general3A_12, %add3A : vector<2000x128xf32>
    %swap3A_17 = arith.constant 0 : index
    %swap3A_18 = arith.constant 0 : index
    %swap3A_19 = vector.load %arg6[%swap3A_17, %swap3A_18] : memref<2000x128xf32, #tpu.memory_space<vmem>>, vector<2000x128xf32>
    tpu.vector_store %arg6[%swap3A_17, %swap3A_18], %add3A_16 {strides = array<i32>} : memref<2000x128xf32, #tpu.memory_space<vmem>>, vector<2000x128xf32>,
    return
  }
  func.func @transform_0(%arg0: i32) -> (i32, i32) {
    %c0_i32 = arith.constant 0 : i32
    %c0_i32_0 = arith.constant 0 : i32
    return %arg0, %c0_i32 : i32, i32
  }
  func.func @transform_1(%arg0: i32) -> (i32, i32) {
    %c0_i32 = arith.constant 0 : i32
    %c0_i32_0 = arith.constant 0 : i32
    %c0_i32_1 = arith.constant 0 : i32
    return %c0_i32, %c0_i32_0 : i32, i32
  }
  func.func @transform_2(%arg0: i32) -> (i32, i32) {
    %c0_i32 = arith.constant 0 : i32
    %c0_i32_0 = arith.constant 0 : i32
    %c0_i32_1 = arith.constant 0 : i32
    return %c0_i32, %c0_i32_0 : i32, i32
  }
  func.func @transform_3(%arg0: i32) -> (i32, i32) {
    %c0_i32 = arith.constant 0 : i32
    %c0_i32_0 = arith.constant 0 : i32
    %c0_i32_1 = arith.constant 0 : i32
    return %c0_i32, %c0_i32_0 : i32, i32
  }
  func.func @transform_4(%arg0: i32) -> (i32, i32) {
    %c0_i32 = arith.constant 0 : i32
    %c0_i32_0 = arith.constant 0 : i32
    return %arg0, %c0_i32 : i32, i32
  }
  func.func @transform_5(%arg0: i32) -> (i32, i32) {
    %c0_i32 = arith.constant 0 : i32
    %c0_i32_0 = arith.constant 0 : i32
    return %arg0, %c0_i32 : i32, i32
  }
}

module attributes {stable_mosaic.version = 14 : i64} {
  func.func @_combine0_body(%arg0: i32, %arg1: memref<2000x128xf32, #tpu.memory_space<vmem>>, %arg2: memref<2x2000x128xf32, #tpu.memory_space<vmem>>, %arg3: memref<2x2000x1xf32, #tpu.memory_space<vmem>>, %arg4: memref<2000x128xf32, #tpu.memory_space<vmem>>, %arg5: memref<2000x16xf32, #tpu.memory_space<vmem>>) attributes {dimension_semantics = [#tpu.dimension_semantics<arbitrary>], iteration_bounds = array<i64: 5>, scalar_prefetch = 0 : i64, scratch_operands = 0 : i64, tpu.core_type = #tpu.core_type<tc>, window_params = [{transform_indices = @transform_0, window_bounds = array<i64: 2000, 128>}, {transform_indices = @transform_1, window_bounds = array<i64: 2, 2000, 128>}, {transform_indices = @transform_2, window_bounds = array<i64: 2, 2000, 1>}, {transform_indices = @transform_3, window_bounds = array<i64: 2000, 128>}, {transform_indices = @transform_4, window_bounds = array<i64: 2000, 16>}]} {
    %get3A = arith.constant 0 : index
    %get3A_0 = arith.constant 0 : index
    %get3A_1 = arith.constant 0 : index
    %get3A_2 = vector.load %arg2[%get3A, %get3A_0, %get3A_1] : memref<2x2000x128xf32, #tpu.memory_space<vmem>>, vector<1x2000x128xf32>
    %get3A_3 = vector.shape_cast %get3A_2 : vector<1x2000x128xf32> to vector<2000x128xf32>
    %get3A_4 = arith.constant 1 : index
    %get3A_5 = arith.constant 0 : index
    %get3A_6 = arith.constant 0 : index
    %get3A_7 = vector.load %arg2[%get3A_4, %get3A_5, %get3A_6] : memref<2x2000x128xf32, #tpu.memory_space<vmem>>, vector<1x2000x128xf32>
    %get3A_8 = vector.shape_cast %get3A_7 : vector<1x2000x128xf32> to vector<2000x128xf32>
    %add3A = arith.addf %get3A_3, %get3A_8 : vector<2000x128xf32>
    %get3A_9 = arith.constant 0 : index
    %get3A_10 = arith.constant 0 : index
    %get3A_11 = arith.constant 0 : index
    %get3A_12 = vector.load %arg3[%get3A_9, %get3A_10, %get3A_11] : memref<2x2000x1xf32, #tpu.memory_space<vmem>>, vector<1x2000x1xf32>
    %get3A_13 = vector.shape_cast %get3A_12 : vector<1x2000x1xf32> to vector<2000x1xf32>
    %get3A_14 = arith.constant 1 : index
    %get3A_15 = arith.constant 0 : index
    %get3A_16 = arith.constant 0 : index
    %get3A_17 = vector.load %arg3[%get3A_14, %get3A_15, %get3A_16] : memref<2x2000x1xf32, #tpu.memory_space<vmem>>, vector<1x2000x1xf32>
    %get3A_18 = vector.shape_cast %get3A_17 : vector<1x2000x1xf32> to vector<2000x1xf32>
    %add3A_19 = arith.addf %get3A_13, %get3A_18 : vector<2000x1xf32>
    %max3A = arith.constant 1.000000e+00 : f32
    %max3A_20 = vector.broadcast %max3A : f32 to vector<2000x1xf32>
    %max3A_21 = arith.maximumf %add3A_19, %max3A_20 : vector<2000x1xf32>
    %div3A = arith.constant 1.000000e+00 : f32
    %div3A_22 = vector.broadcast %div3A : f32 to vector<2000x1xf32>
    %div3A_23 = arith.divf %div3A_22, %max3A_21 : vector<2000x1xf32>
    %get3A_24 = arith.constant 0 : index
    %get3A_25 = arith.constant 0 : index
    %get3A_26 = vector.load %arg1[%get3A_24, %get3A_25] : memref<2000x128xf32, #tpu.memory_space<vmem>>, vector<2000x128xf32>
    %mul3A = vector.broadcast %div3A_23 : vector<2000x1xf32> to vector<2000x128xf32>
    %mul3A_27 = arith.mulf %add3A, %mul3A : vector<2000x128xf32>
    %add3A_28 = arith.addf %get3A_26, %mul3A_27 : vector<2000x128xf32>
    %max3A_29 = arith.constant 0.000000e+00 : f32
    %max3A_30 = vector.broadcast %max3A_29 : f32 to vector<2000x128xf32>
    %max3A_31 = arith.maximumf %add3A_28, %max3A_30 : vector<2000x128xf32>
    %swap3A = arith.constant 0 : index
    %swap3A_32 = arith.constant 0 : index
    %swap3A_33 = vector.load %arg4[%swap3A, %swap3A_32] : memref<2000x128xf32, #tpu.memory_space<vmem>>, vector<2000x128xf32>
    tpu.vector_store %arg4[%swap3A, %swap3A_32], %max3A_31 {strides = array<i32>} : memref<2000x128xf32, #tpu.memory_space<vmem>>, vector<2000x128xf32>,
    %broadcast_in_dim3A = vector.shape_cast %div3A_23 : vector<2000x1xf32> to vector<2000x1xf32>
    %broadcast_in_dim3A_34 = vector.broadcast %broadcast_in_dim3A : vector<2000x1xf32> to vector<2000x16xf32>
    %swap3A_35 = arith.constant 0 : index
    %swap3A_36 = arith.constant 0 : index
    %swap3A_37 = vector.load %arg5[%swap3A_35, %swap3A_36] : memref<2000x16xf32, #tpu.memory_space<vmem>>, vector<2000x16xf32>
    tpu.vector_store %arg5[%swap3A_35, %swap3A_36], %broadcast_in_dim3A_34 {strides = array<i32>} : memref<2000x16xf32, #tpu.memory_space<vmem>>, vector<2000x16xf32>,
    return
  }
  func.func @transform_0(%arg0: i32) -> (i32, i32) {
    %c0_i32 = arith.constant 0 : i32
    %c0_i32_0 = arith.constant 0 : i32
    return %arg0, %c0_i32 : i32, i32
  }
  func.func @transform_1(%arg0: i32) -> (i32, i32, i32) {
    %c0_i32 = arith.constant 0 : i32
    %c0_i32_0 = arith.constant 0 : i32
    %c0_i32_1 = arith.constant 0 : i32
    return %c0_i32, %arg0, %c0_i32_0 : i32, i32, i32
  }
  func.func @transform_2(%arg0: i32) -> (i32, i32, i32) {
    %c0_i32 = arith.constant 0 : i32
    %c0_i32_0 = arith.constant 0 : i32
    %c0_i32_1 = arith.constant 0 : i32
    return %c0_i32, %arg0, %c0_i32_0 : i32, i32, i32
  }
  func.func @transform_3(%arg0: i32) -> (i32, i32) {
    %c0_i32 = arith.constant 0 : i32
    %c0_i32_0 = arith.constant 0 : i32
    return %arg0, %c0_i32 : i32, i32
  }
  func.func @transform_4(%arg0: i32) -> (i32, i32) {
    %c0_i32 = arith.constant 0 : i32
    %c0_i32_0 = arith.constant 0 : i32
    return %arg0, %c0_i32 : i32, i32
  }
}

module attributes {stable_mosaic.version = 14 : i64} {
  func.func @_combine_body_relu(%arg0: i32, %arg1: memref<2000x128xf32, #tpu.memory_space<vmem>>, %arg2: memref<2x2000x128xf32, #tpu.memory_space<vmem>>, %arg3: memref<2000x16xf32, #tpu.memory_space<vmem>>, %arg4: memref<2000x128xf32, #tpu.memory_space<vmem>>) attributes {dimension_semantics = [#tpu.dimension_semantics<arbitrary>], iteration_bounds = array<i64: 5>, scalar_prefetch = 0 : i64, scratch_operands = 0 : i64, tpu.core_type = #tpu.core_type<tc>, window_params = [{transform_indices = @transform_0, window_bounds = array<i64: 2000, 128>}, {transform_indices = @transform_1, window_bounds = array<i64: 2, 2000, 128>}, {transform_indices = @transform_2, window_bounds = array<i64: 2000, 16>}, {transform_indices = @transform_3, window_bounds = array<i64: 2000, 128>}]} {
    %get3A = arith.constant 0 : index
    %get3A_0 = arith.constant 0 : index
    %get3A_1 = arith.constant 0 : index
    %get3A_2 = vector.load %arg2[%get3A, %get3A_0, %get3A_1] : memref<2x2000x128xf32, #tpu.memory_space<vmem>>, vector<1x2000x128xf32>
    %get3A_3 = vector.shape_cast %get3A_2 : vector<1x2000x128xf32> to vector<2000x128xf32>
    %get3A_4 = arith.constant 1 : index
    %get3A_5 = arith.constant 0 : index
    %get3A_6 = arith.constant 0 : index
    %get3A_7 = vector.load %arg2[%get3A_4, %get3A_5, %get3A_6] : memref<2x2000x128xf32, #tpu.memory_space<vmem>>, vector<1x2000x128xf32>
    %get3A_8 = vector.shape_cast %get3A_7 : vector<1x2000x128xf32> to vector<2000x128xf32>
    %add3A = arith.addf %get3A_3, %get3A_8 : vector<2000x128xf32>
    %get3A_9 = arith.constant 0 : index
    %get3A_10 = arith.constant 0 : index
    %get3A_11 = vector.load %arg1[%get3A_9, %get3A_10] : memref<2000x128xf32, #tpu.memory_space<vmem>>, vector<2000x128xf32>
    %get3A_12 = arith.constant 0 : index
    %get3A_13 = arith.constant 0 : index
    %get3A_14 = vector.load %arg3[%get3A_12, %get3A_13] : memref<2000x16xf32, #tpu.memory_space<vmem>>, vector<2000x1xf32>
    %mul3A = vector.broadcast %get3A_14 : vector<2000x1xf32> to vector<2000x128xf32>
    %mul3A_15 = arith.mulf %add3A, %mul3A : vector<2000x128xf32>
    %add3A_16 = arith.addf %get3A_11, %mul3A_15 : vector<2000x128xf32>
    %max3A = arith.constant 0.000000e+00 : f32
    %max3A_17 = vector.broadcast %max3A : f32 to vector<2000x128xf32>
    %max3A_18 = arith.maximumf %add3A_16, %max3A_17 : vector<2000x128xf32>
    %swap3A = arith.constant 0 : index
    %swap3A_19 = arith.constant 0 : index
    %swap3A_20 = vector.load %arg4[%swap3A, %swap3A_19] : memref<2000x128xf32, #tpu.memory_space<vmem>>, vector<2000x128xf32>
    tpu.vector_store %arg4[%swap3A, %swap3A_19], %max3A_18 {strides = array<i32>} : memref<2000x128xf32, #tpu.memory_space<vmem>>, vector<2000x128xf32>,
    return
  }
  func.func @transform_0(%arg0: i32) -> (i32, i32) {
    %c0_i32 = arith.constant 0 : i32
    %c0_i32_0 = arith.constant 0 : i32
    return %arg0, %c0_i32 : i32, i32
  }
  func.func @transform_1(%arg0: i32) -> (i32, i32, i32) {
    %c0_i32 = arith.constant 0 : i32
    %c0_i32_0 = arith.constant 0 : i32
    %c0_i32_1 = arith.constant 0 : i32
    return %c0_i32, %arg0, %c0_i32_0 : i32, i32, i32
  }
  func.func @transform_2(%arg0: i32) -> (i32, i32) {
    %c0_i32 = arith.constant 0 : i32
    %c0_i32_0 = arith.constant 0 : i32
    return %arg0, %c0_i32 : i32, i32
  }
  func.func @transform_3(%arg0: i32) -> (i32, i32) {
    %c0_i32 = arith.constant 0 : i32
    %c0_i32_0 = arith.constant 0 : i32
    return %arg0, %c0_i32 : i32, i32
  }
}

module attributes {stable_mosaic.version = 14 : i64} {
  func.func @_combine_body_lin(%arg0: i32, %arg1: memref<2000x128xf32, #tpu.memory_space<vmem>>, %arg2: memref<2x2000x128xf32, #tpu.memory_space<vmem>>, %arg3: memref<2000x16xf32, #tpu.memory_space<vmem>>, %arg4: memref<2000x128xf32, #tpu.memory_space<vmem>>) attributes {dimension_semantics = [#tpu.dimension_semantics<arbitrary>], iteration_bounds = array<i64: 5>, scalar_prefetch = 0 : i64, scratch_operands = 0 : i64, tpu.core_type = #tpu.core_type<tc>, window_params = [{transform_indices = @transform_0, window_bounds = array<i64: 2000, 128>}, {transform_indices = @transform_1, window_bounds = array<i64: 2, 2000, 128>}, {transform_indices = @transform_2, window_bounds = array<i64: 2000, 16>}, {transform_indices = @transform_3, window_bounds = array<i64: 2000, 128>}]} {
    %get3A = arith.constant 0 : index
    %get3A_0 = arith.constant 0 : index
    %get3A_1 = arith.constant 0 : index
    %get3A_2 = vector.load %arg2[%get3A, %get3A_0, %get3A_1] : memref<2x2000x128xf32, #tpu.memory_space<vmem>>, vector<1x2000x128xf32>
    %get3A_3 = vector.shape_cast %get3A_2 : vector<1x2000x128xf32> to vector<2000x128xf32>
    %get3A_4 = arith.constant 1 : index
    %get3A_5 = arith.constant 0 : index
    %get3A_6 = arith.constant 0 : index
    %get3A_7 = vector.load %arg2[%get3A_4, %get3A_5, %get3A_6] : memref<2x2000x128xf32, #tpu.memory_space<vmem>>, vector<1x2000x128xf32>
    %get3A_8 = vector.shape_cast %get3A_7 : vector<1x2000x128xf32> to vector<2000x128xf32>
    %add3A = arith.addf %get3A_3, %get3A_8 : vector<2000x128xf32>
    %get3A_9 = arith.constant 0 : index
    %get3A_10 = arith.constant 0 : index
    %get3A_11 = vector.load %arg1[%get3A_9, %get3A_10] : memref<2000x128xf32, #tpu.memory_space<vmem>>, vector<2000x128xf32>
    %get3A_12 = arith.constant 0 : index
    %get3A_13 = arith.constant 0 : index
    %get3A_14 = vector.load %arg3[%get3A_12, %get3A_13] : memref<2000x16xf32, #tpu.memory_space<vmem>>, vector<2000x1xf32>
    %mul3A = vector.broadcast %get3A_14 : vector<2000x1xf32> to vector<2000x128xf32>
    %mul3A_15 = arith.mulf %add3A, %mul3A : vector<2000x128xf32>
    %add3A_16 = arith.addf %get3A_11, %mul3A_15 : vector<2000x128xf32>
    %swap3A = arith.constant 0 : index
    %swap3A_17 = arith.constant 0 : index
    %swap3A_18 = vector.load %arg4[%swap3A, %swap3A_17] : memref<2000x128xf32, #tpu.memory_space<vmem>>, vector<2000x128xf32>
    tpu.vector_store %arg4[%swap3A, %swap3A_17], %add3A_16 {strides = array<i32>} : memref<2000x128xf32, #tpu.memory_space<vmem>>, vector<2000x128xf32>,
    return
  }
  func.func @transform_0(%arg0: i32) -> (i32, i32) {
    %c0_i32 = arith.constant 0 : i32
    %c0_i32_0 = arith.constant 0 : i32
    return %arg0, %c0_i32 : i32, i32
  }
  func.func @transform_1(%arg0: i32) -> (i32, i32, i32) {
    %c0_i32 = arith.constant 0 : i32
    %c0_i32_0 = arith.constant 0 : i32
    %c0_i32_1 = arith.constant 0 : i32
    return %c0_i32, %arg0, %c0_i32_0 : i32, i32, i32
  }
  func.func @transform_2(%arg0: i32) -> (i32, i32) {
    %c0_i32 = arith.constant 0 : i32
    %c0_i32_0 = arith.constant 0 : i32
    return %arg0, %c0_i32 : i32, i32
  }
  func.func @transform_3(%arg0: i32) -> (i32, i32) {
    %c0_i32 = arith.constant 0 : i32
    %c0_i32_0 = arith.constant 0 : i32
    return %arg0, %c0_i32 : i32, i32
  }
}

</mosaic_0001>

<sc_bundles>
// kernel: kernel.11.cloned.1.call-start
scs
__scs_entry_jumppad:
0x0: {  	(pc) =	sbr.rel $0x88, $3  }
0x1: {  	(tag) =	ssettag $0x0;
	lr =	simm.s32 $0x1  }
0x2: {  	[smem:$0x3F96] =	sst lr;
	_ =	strace $0xD0000000  }
0x3: {  	_ = 	snop  }
0x4: {  	_ = 	snop  }
0x5: {  	_ = 	snop  }
0x6: {  	_ = 	snop  }
0x7: {  	_ = 	snop  }
__scs_overlays_trampoline_lowered:
0x8: {  	[smem:$0x3FA5] =	sst s0  }
0x9: {  	[smem:$0x3FA6] =	sst s1  }
0xa: {  	[smem:$0x3FA7] =	sst s2  }
0xb: {  	[smem:$0x3FA8] =	sst s3  }
0xc: {  	[smem:$0x3FA9] =	sst s4  }
0xd: {  	[smem:$0x3FAA] =	sst s5  }
0xe: {  	[smem:$0x3FAB] =	sst s6  }
0xf: {  	[smem:$0x3FAC] =	sst s7  }
0x10: {  	[smem:$0x3FAD] =	sst s8  }
0x11: {  	[smem:$0x3FAE] =	sst s9;
	s0 =	simm.s32 @!p0 $0x0  }
0x12: {  	s1 =	sld [smem:$0x3F94];
	s0 =	simm.s32 @p0 $0x1  }
0x13: {  	[smem:$0x3FAF] =	sst s0;
	s0 =	simm.s32 @!p1 $0x0  }
0x14: {  	s2 =	sld [smem:$0x3F93];
	s0 =	simm.s32 @p1 $0x1  }
0x15: {  	[smem:$0x3FB0] =	sst s0;
	s0 =	simm.s32 @!p2 $0x0  }
0x16: {  	s3 =	sld [smem:$0x3FDB];
	s0 =	simm.s32 @p2 $0x1  }
0x17: {  	s4 =	simm.s32 $0x1BF5;
	[smem:$0x3FB2] =	sst s0  }
0x18: {  	s0 =	sld [smem:$0x3F95];
	_ =	swait.ge [sflag:s4], $0x0  }
0x19: {  	s7 =	sld [smem:$0x3F96]  }
0x1a: {  	s8 =	sadd.s32 $0xFFFFE003, lr  }
0x1b: {  	s9 =	sadd.s32 $0xFFFFFEF7, lr;
	s5 =	simm.s32 $0xFFFFFFFF;
	p2 =	slt.u32 s8, $0xFFFFF086  }
0x1c: {  	p1 =	slt.u32 s9, $0xF7A;
	s5 =	simm.s32 @!p2 $0x0  }
0x1d: {  	s5 =	simm.s32 @p1 $0x1;
	p0 =	seq.s32 s7, s2  }
0x1e: {  	s7 =	smul.u32 @!p0 $0xF7A, s2;
	p2 =	seq.s32 @!p0 s5, $0x0  }
0x1f: {  	s9 =	smul.u32 $0xF7A, s1;
	s8 =	simm.s32 @!p0 $0x1BF5;
	p2 =	por !p2, p0  }
0x20: {  	[sflag:s8] =	ssyncset.s32 @!p0 $0xFFFFF086;
	s6 =	sadd.s32 @!p0 s3, s7;
	s7 =	simm.s32 @!p0 $0x108  }
0x21: {  	s3 =	sadd.s32 s3, s9;
	s6 =	sadd.s32 @!p0 $0x88, s6;
	s7 =	simm.s32 @p2 $0x1082  }
0x22: {  	[simem:s7], [sflag:s8] =	dma.local @!p0 [hbm:s6], $0xF7A  }
0x23: {  	s9 =	sor.u32 $0xD0000000, s2;
	s6 =	simm.s32 $0x108;
	_ =	swait.ge @!p0 [sflag:s8], $0x0  }
0x24: {  	s3 =	sadd.s32 $0x88, s3;
	s6 =	simm.s32 @!p1 $0x1082;
	[sflag:s4] =	ssyncset.s32 $0xFFFFF086  }
0x25: {  	[simem:s6], [sflag:s4] =	dma.local [hbm:s3], $0xF7A  }
0x26: {  	[smem:$0x3F96] =	sst s1;
	(tag) =	ssettag s2;
	_ =	strace s9  }
0x27: {  	s1 =	sld [smem:$0x3FA6]  }
0x28: {  	s2 =	sld [smem:$0x3FA7]  }
0x29: {  	s4 =	sld [smem:$0x3FA9]  }
0x2a: {  	p0 =	seq.s32 s5, $0x0;
	s5 =	sld [smem:$0x3FAA]  }
0x2b: {  	s6 =	sld [smem:$0x3FAB]  }
0x2c: {  	s7 =	sld [smem:$0x3FAC]  }
0x2d: {  	s3 =	simm.s32 $0x108;
	s8 =	sld [smem:$0x3FAD]  }
0x2e: {  	s3 =	simm.s32 @!p0 $0x1082;
	s9 =	sld [smem:$0x3FAE]  }
0x2f: {  	lr =	sadd.s32 s0, s3;
	s0 =	sld [smem:$0x3FA5]  }
0x30: {  	s3 =	sld [smem:$0x3FA8]  }
0x31: {  	[smem:$0x3FB1] =	sst s10  }
0x32: {  	s10 =	sld [smem:$0x3FAF];
	_ =	sdelay $0x3  }
0x33: {  	p0 =	seq.s32 s10, $0x1;
	s10 =	sld [smem:$0x3FB1];
	_ =	sdelay $0x3  }
0x34: {  	[smem:$0x3FB1] =	sst s10  }
0x35: {  	s10 =	sld [smem:$0x3FB0];
	_ =	sdelay $0x3  }
0x36: {  	p1 =	seq.s32 s10, $0x1;
	s10 =	sld [smem:$0x3FB1];
	_ =	sdelay $0x3  }
0x37: {  	[smem:$0x3FB1] =	sst s10  }
0x38: {  	s10 =	sld [smem:$0x3FB2]  }
0x39: {  	_ = 	snop;
	(pc) =	sbr.ind lr, $3  }
0x3a: {  	_ = 	snop  }
0x3b: {  	_ = 	snop  }
0x3c: {  	p2 =	seq.s32 s10, $0x1;
	s10 =	sld [smem:$0x3FB1]  }
0x3d: {  	_ =	shalt  }
0x3e: {  	_ =	shalt  }
0x3f: {  	_ =	shalt  }
0x40: {  	_ =	shalt  }
0x41: {  	_ =	shalt  }
0x42: {  	_ =	shalt  }
0x43: {  	_ =	shalt  }
0x44: {  	_ =	shalt  }
0x45: {  	_ =	shalt  }
0x46: {  	_ =	shalt  }
0x47: {  	_ =	shalt  }
0x48: {  	_ =	shalt  }
0x49: {  	_ =	shalt  }
0x4a: {  	_ =	shalt  }
0x4b: {  	_ =	shalt  }
0x4c: {  	_ =	shalt  }
0x4d: {  	_ =	shalt  }
0x4e: {  	_ =	shalt  }
0x4f: {  	_ =	shalt  }
0x50: {  	_ =	shalt  }
0x51: {  	_ =	shalt  }
0x52: {  	_ =	shalt  }
0x53: {  	_ =	shalt  }
0x54: {  	_ =	shalt  }
0x55: {  	_ =	shalt  }
0x56: {  	_ =	shalt  }
0x57: {  	_ =	shalt  }
0x58: {  	_ =	shalt  }
0x59: {  	_ =	shalt  }
0x5a: {  	_ =	shalt  }
0x5b: {  	_ =	shalt  }
0x5c: {  	_ =	shalt  }
0x5d: {  	_ =	shalt  }
0x5e: {  	_ =	shalt  }
0x5f: {  	_ =	shalt  }
0x60: {  	_ =	shalt  }
0x61: {  	_ =	shalt  }
0x62: {  	_ =	shalt  }
0x63: {  	_ =	shalt  }
0x64: {  	_ =	shalt  }
0x65: {  	_ =	shalt  }
0x66: {  	_ =	shalt  }
0x67: {  	_ =	shalt  }
0x68: {  	_ =	shalt  }
0x69: {  	_ =	shalt  }
0x6a: {  	_ =	shalt  }
0x6b: {  	_ =	shalt  }
0x6c: {  	_ =	shalt  }
0x6d: {  	_ =	shalt  }
0x6e: {  	_ =	shalt  }
0x6f: {  	_ =	shalt  }
0x70: {  	_ =	shalt  }
0x71: {  	_ =	shalt  }
0x72: {  	_ =	shalt  }
0x73: {  	_ =	shalt  }
0x74: {  	_ =	shalt  }
0x75: {  	_ =	shalt  }
0x76: {  	_ =	shalt  }
0x77: {  	_ =	shalt  }
0x78: {  	_ =	shalt  }
0x79: {  	_ =	shalt  }
0x7a: {  	_ =	shalt  }
0x7b: {  	_ =	shalt  }
0x7c: {  	_ =	shalt  }
0x7d: {  	_ =	shalt  }
0x7e: {  	_ =	shalt  }
0x7f: {  	_ =	shalt  }
0x80: {  	_ =	shalt  }
0x81: {  	_ =	shalt  }
0x82: {  	_ =	shalt  }
0x83: {  	_ =	shalt  }
0x84: {  	_ =	shalt  }
0x85: {  	_ =	shalt  }
0x86: {  	_ =	shalt  }
0x87: {  	_ =	shalt  }
.Lfunc_end0:
.L_simem_size_0:
called_computation_lowered:
.L_overlay_start_0:
0x88: {  	s2 =	sld [smem:$0x3FD9]  }
0x89: {  	s3 =	sld [smem:$0x3FFE];
	_ =	sdelay $0x1  }
0x8a: {  	s1 =	srdreg.scid  }
0x8b: {  	s0 =	sand.u32 $0x1, s1  }
0x8c: {  	s17 =	sshll.u32 s0, $0xA;
	s2 =	sadd.s32 s3, s2  }
0x8d: {  	s2 =	sadd.s32 s2, s17  }
0x8e: {  	[smem:$0x3FBD] =	sst s2  }
0x8f: {  	_ = 	snop  }
0x90: {  	s2 =	sld [smem:$0x3FD0];
	(tm) =	ssettm $0x1  }
0x91: {  	s18 =	sld [smem:$0x3FFB];
	_ =	sdelay $0x3  }
0x92: {  	_ =	strace s18  }
0x93: {  	s3 =	sld [smem:$0x3FFC];
	_ =	sdelay $0x3  }
0x94: {  	_ =	strace s3  }
0x95: {  	s3 =	sld [smem:$0x3FFD];
	_ =	sdelay $0x3  }
0x96: {  	_ =	strace s3  }
0x97: {  	_ =	strace $0x8FFFFFFF  }
0x98: {  	s19 =	sld [smem:$0x3FDB];
	_ =	sdelay $0x1  }
0x99: {  	s4 =	simm.s32 $_scs_section_size  }
0x9a: {  	s5 =	simm.s32 $_size__tile_overlayer_lowered;
	s6 =	simm.s32 $_tile_overlayer_lowered  }
0x9b: {  	s22 =	simm.s32 $0x1BFF;
	s21 =	sshll.u32 s6, $0x1;
	s3 =	sadd.s32 s4, s19  }
0x9c: {  	s7 =	simm.s32 $0x0;
	s20 =	sshll.u32 s5, $0x1;
	s5 =	sadd.s32 s21, s3  }
0x9d: {  	[timem:s7], [sflag:s22] =	dma.local [hbm:s5], s20  }
0x9e: {  	_ =	swait.ge [sflag:s22], s20  }
0x9f: {  	s4 =	ssub.s32 $0x0, s20;
	[sflag:s22] =	ssyncset.done $0x0  }
0xa0: {  	[sflag:s22] =	ssyncadd.s32 s4;
	_ =	sdelay $0x1  }
0xa1: {  	s23 =	simm.s32 $0x1B8B  }
0xa2: {  	_ =	swait.ge [sflag:s23], $0x1  }
0xa3: {  	[sflag:s23] =	ssyncset.done $0x0  }
0xa4: {  	s25 =	simm.s32 $0x1B8E;
	s24 =	sld [smem:$0x3FFE];
	[sflag:s23] =	ssyncadd.s32 $0xFFFFFFFF  }
0xa5: {  	s26 =	simm.s32 $execute0_lowered;
	[smem:$0x3FD2] =	sst s25  }
0xa6: {  	s5 =	sshll.u32 s26, $0x1;
	_ =	strace $0x80000046;
	[dreg:$0x1] =	wrdreg $0xFFFFFFFF  }
0xa7: {  	s28 =	simm.s32 $_size_execute0_lowered;
	s3 =	sadd.s32 s3, s5;
	[dreg:$0x0] =	wrdreg $0x0  }
0xa8: {  	s5 =	sshll.u32 s28, $0x1;
	[dreg:$0x2] =	wrdreg s3  }
0xa9: {  	[dreg:$0x3] =	wrdreg s5  }
0xaa: {  	[dreg:$0x4] =	wrdreg $0xC0  }
0xab: {  	_ =	task [dreg:s7], $0x5FFFF  }
0xac: {  	[dreg:$0x1] =	wrdreg $0xFFFFFFFF  }
0xad: {  	[dreg:$0x0] =	wrdreg $0x60  }
0xae: {  	[dreg:$0x2] =	wrdreg s24  }
0xaf: {  	[dreg:$0x3] =	wrdreg s2  }
0xb0: {  	[dreg:$0x4] =	wrdreg $0xB8800  }
0xb1: {  	[dreg:$0x5] =	wrdreg $0x1F4800  }
0xb2: {  	[dreg:$0x6] =	wrdreg $0x9  }
0xb3: {  	_ =	task.clear_ibuf [dreg:s7], $0x7FFFF;
	_ =	strace $0x90000046  }
0xb4: {  	s29 =	simm.s32 $0x9;
	_ =	strace $0x80000048  }
0xb5: {  	_ =	swait.ge [sflag:s29], $0x1  }
0xb6: {  	[sflag:s29] =	ssyncadd.s32 $0xFFFFFFFF  }
0xb7: {  	_ =	strace $0x90000048  }
0xb8: {  	_ =	sfence  }
0xb9: {  	s30 =	sld [smem:$0x0];
	_ =	sdelay $0x2  }
0xba: {  	s31 =	sshll.u32 s1, $0xD;
	s1 =	sshrl.u32 s1, $0x2  }
0xbb: {  	s3 =	sand.u32 $0x4000, s31;
	s1 =	sadd.s32 s1, s30  }
0xbc: {  	s0 =	sor.u32 s3, s0;
	s1 =	sshll.u32 s1, $0x11  }
0xbd: {  	s0 =	sor.u32 s1, s0  }
0xbe: {  	s0 =	sadd.s32 $0x8F2B, s0  }
0xbf: {  	[sflag:s0] =	ssyncadd.remote.s32 $0x1  }
0xc0: {  	_ =	sfence.sel $0xFFFF  }
0xc1: {  	[dreg:$0x0] =	wrdreg $0xFFFFFFFF;
	(pc) =	sbr.abs _section_cstart, $3  }
0xc2: {  	[dreg:$0x1] =	wrdreg $0xFFFFFFFF  }
0xc3: {  	_ =	task.clear_ibuf [dreg:s7], $0x2FFFF;
	_ =	strace $0x9FFFFFFF  }
0xc4: {  	(tm) =	ssettm $0x7FFFFFFF  }
0xc5: {  	_ =	shalt  }
tec
execute0_lowered:
.L_overlay_start_1:
0x0: {  	(tag) =	ssettag $0x1  }
0x1: {  	s7 =	rddreg [dreg:$0x0]  }
0x2: {  	s8 =	rddreg [dreg:$0x1]  }
0x3: {  	s1 =	srdreg.scid;
	s2 =	rddreg [dreg:$0x2]  }
0x4: {  	s0 =	stileid.u32;
	s3 =	rddreg [dreg:$0x3]  }
0x5: {  	s4 =	simm.s32 $0x0;
	s20 =	simm.s32 $0x9000;
	s21 =	simm.s32 $0x80  }
0x6: {  	s22 =	simm.s32 $0x5000;
	s23 =	simm.s32 $0x50;
	s24 =	simm.s32 $0x0  }
0x7: {  	s9 =	sand.u32 $0x1, s1;
	s26 =	sshll.u32 s0, $0x1;
	s11 =	smul.u32 $0x13C00, s0  }
0x8: {  	[smem:$0x7FF] =	sst s4;
	s5 =	sadd.s32 $0xCA00, s7;
	s13 =	sadd.s32 $0x33E00, s7  }
0x9: {  	s16 =	sshll.u32 s0, $0xA;
	s18 =	smul.u32 $0x4F000, s0;
	s30 =	sshll.u32 s0, $0x7  }
0xa: {  	p0 =	sgt.u32 s0, $0x9;
	s31 =	sshll.u32 s0, $0x6;
	s6 =	smul.u32 $0x13C000, s9  }
0xb: {  	s1 =	sor.u32 s9, s26;
	s15 =	smul.u32 $0x2800, s9;
	s9 =	ssub.s32 $0x2, s9  }
0xc: {  	s19 =	sadd.s32 s16, s3;
	s10 =	smul.u32 $0x500, s1;
	s1 =	rddreg [dreg:$0x4]  }
0xd: {  	_ =	strace $0x80000047;
	s17 =	sshrl.u32 s9, $0x1;
	s28 =	sshrl.u32 s18, $0x2  }
0xe: {  	s29 =	sshrl.u32 s11, $0x3;
	s19 =	sshrl.u32 @!p0 s19, $0x3;
	s14 =	sadd.s32 s11, s6  }
0xf: {  	s6 =	sadd.s32 $0x33C00, s7;
	s15 =	sadd.s32 s16, s15;
	s17 =	ssub.s32 s9, s17  }
0x10: {  	v0 =	vimm.f32 $0.0e+00;
	v1 =	vimm.f32 $1.000000000e+00;
	s18 =	sadd.s32 s28, s2;
	s9 =	sadd.s32 s13, s29;
	s16 =	sor.u32 $0x1C01, s31  }
0x11: {  	vm0 =	vcmask $0x704;
	vm1 =	vcmask $0xB08;
	vm14 =	vcmask $0x3F3C;
	s12 =	sadd.s32 s10, s7;
	s14 =	sshrl.u32 s14, $0x3;
	s15 =	sshrl.u32 s15, $0x3  }
0x12: {  	vm2 =	vcmask $0xF0C;
	vm3 =	vcmask $0x1310;
	vm4 =	vcmask $0x1714;
	s14 =	sadd.s32 s14, s7;
	s15 =	sadd.s32 s15, s7;
	s7 =	sadd.s32 s8, s10  }
0x13: {  	vm5 =	vcmask $0x1B18;
	vm6 =	vcmask $0x1F1C;
	vm7 =	vcmask $0x2320;
	s8 =	sadd.s32 $0x2A00, s12;
	s10 =	sadd.s32 s13, s30;
	s13 =	smax.u32 s17, $0x1  }
0x14: {  	vm8 =	vcmask $0x2724;
	vm9 =	vcmask $0x2B28;
	vm10 =	vcmask $0x2F2C;
	s17 =	sshrl.u32 s18, $0x3;
	s18 =	simm.s32 $0xB800;
	s11 =	sadd.s32 $0x5C000, s14  }
0x15: {  	vm11 =	vcmask $0x3330;
	vm12 =	vcmask $0x3734;
	vm13 =	vcmask $0x3B38;
	s12 =	sadd.s32 $0x5B600, s15;
	s14 =	simm.s32 $0x1;
	s15 =	simm.s32 $0x2800  }
.LBB2_1:
0x16: {  	[tilespmem:s4], [sflag:$0x1] =	stream.linear.gather [hbm4b:s7+s4], $0x2800, $0x38;
	[tilespmem:$0x1F700] =	vst v63  }
0x17: {  	_ =	swait.ge [sflag:s14], $0x2800  }
0x18: {  	[sflag:s14] =	ssyncset.done $0x0  }
0x19: {  	[sflag:s14] =	ssyncadd.s32 $0xFFFFD800  }
0x1a: {  	[tilespmem:s15], [sflag:$0x1] =	stream.linear.gather [hbm4b:s8+s4], $0x2800, $0x38;
	[tilespmem:$0x1F700] =	vst v63  }
0x1b: {  	_ =	swait.ge [sflag:s14], $0x2800  }
0x1c: {  	[sflag:s14] =	ssyncset.done $0x0  }
0x1d: {  	[sflag:s14] =	ssyncadd.s32 $0xFFFFD800  }
0x1e: {  	[spmem:s17], [sflag:s16] =	dma.local [hbm:s9], $0x2780  }
0x1f: {  	_ =	swait.ge [sflag:s14], $0x2780  }
0x20: {  	[sflag:s14] =	ssyncset.done $0x0  }
0x21: {  	[sflag:s14] =	ssyncadd.s32 $0xFFFFD880  }
0x22: {  	[tilespmem:s18], [sflag:$0x1] =	stream.linear.gather [hbm4b:s6+s4], $0x80, $0x38;
	[tilespmem:$0x1F700] =	vst v63  }
0x23: {  	_ =	swait.ge [sflag:s14], $0x80  }
0x24: {  	[sflag:s14] =	ssyncset.done $0x0  }
0x25: {  	s25 =	simm.s32 @!p0 $0x1;
	[sflag:s14] =	ssyncadd.s32 $0xFFFFFF80  }
0x26: {  	[spmem:s19], [sflag:s16] =	dma.local @!p0 [hbm:s10], $0x80  }
0x27: {  	_ =	swait.ge @!p0 [sflag:s25], $0x80  }
0x28: {  	[sflag:s25] =	ssyncset.done @!p0 $0x0  }
0x29: {  	[sflag:s25] =	ssyncadd.s32 @!p0 $0xFFFFFF80;
	s25 =	simm.s32 $0x0  }
.LBB2_2:
0x2a: {  	p1 =	sne.s32 s25, $0x27F0  }
.Ltmp0:
0x2b: {  	_ = 	snop;
	(pc) =	sbr.rel @p1 .LBB2_2-.Ltmp0, $3  }
0x2c: {  	_ =	sdelay $0x1  }
0x2d: {  	s26 =	sand.u32 $0x3FF0, s25  }
0x2e: {  	s25 =	sadd.s32 $0x10, s25;
	[tilespmem:s26+$0x9000] =	vst v0  }
0x2f: {  	s25 =	simm.s32 $0x0  }
0x30: {  	s25 =	sand.u32 $0x3FF0, s25  }
0x31: {  	v2 =	vld [tilespmem:s25+$0x2800];
	_ =	sdelay $0x7  }
0x32: {  	[tilespmem:v2+s20+$0x0] =	vst.idx.add.f32.msk $0x1, v1  }
0x33: {  	[tilespmem:v2+s20+$0x0] =	vst.idx.add.f32.msk vm0, v1  }
0x34: {  	[tilespmem:v2+s20+$0x0] =	vst.idx.add.f32.msk vm1, v1  }
0x35: {  	[tilespmem:v2+s20+$0x0] =	vst.idx.add.f32.msk vm2, v1  }
0x36: {  	[tilespmem:v2+s20+$0x0] =	vst.idx.add.f32.msk vm3, v1  }
0x37: {  	[tilespmem:v2+s20+$0x0] =	vst.idx.add.f32.msk vm4, v1  }
0x38: {  	[tilespmem:v2+s20+$0x0] =	vst.idx.add.f32.msk vm5, v1  }
0x39: {  	[tilespmem:v2+s20+$0x0] =	vst.idx.add.f32.msk vm6, v1  }
0x3a: {  	[tilespmem:v2+s20+$0x0] =	vst.idx.add.f32.msk vm7, v1  }
0x3b: {  	[tilespmem:v2+s20+$0x0] =	vst.idx.add.f32.msk vm8, v1  }
0x3c: {  	[tilespmem:v2+s20+$0x0] =	vst.idx.add.f32.msk vm9, v1  }
0x3d: {  	[tilespmem:v2+s20+$0x0] =	vst.idx.add.f32.msk vm10, v1  }
0x3e: {  	[tilespmem:v2+s20+$0x0] =	vst.idx.add.f32.msk vm11, v1  }
0x3f: {  	[tilespmem:v2+s20+$0x0] =	vst.idx.add.f32.msk vm12, v1  }
0x40: {  	s26 =	simm.s32 $0x20;
	s25 =	simm.s32 $0x10;
	[tilespmem:v2+s20+$0x0] =	vst.idx.add.f32.msk vm13, v1  }
.LBB2_4:
0x41: {  	p1 =	sne.s32 s26, $0x27F0  }
0x42: {  	s28 =	sand.u32 $0x3FF0, s25;
	[tilespmem:v2+s20+$0x0] =	vst.idx.add.f32.msk vm14, v1;
	s25 =	smov.u32 s26;
	s26 =	sadd.s32 $0x10, s26  }
0x43: {  	v2 =	vld [tilespmem:s28+$0x2800];
	_ =	sdelay $0x7  }
0x44: {  	[tilespmem:v2+s20+$0x0] =	vst.idx.add.f32.msk $0x1, v1  }
0x45: {  	[tilespmem:v2+s20+$0x0] =	vst.idx.add.f32.msk vm0, v1  }
0x46: {  	[tilespmem:v2+s20+$0x0] =	vst.idx.add.f32.msk vm1, v1  }
0x47: {  	[tilespmem:v2+s20+$0x0] =	vst.idx.add.f32.msk vm2, v1  }
0x48: {  	[tilespmem:v2+s20+$0x0] =	vst.idx.add.f32.msk vm3, v1  }
0x49: {  	[tilespmem:v2+s20+$0x0] =	vst.idx.add.f32.msk vm4, v1  }
0x4a: {  	[tilespmem:v2+s20+$0x0] =	vst.idx.add.f32.msk vm5, v1  }
0x4b: {  	[tilespmem:v2+s20+$0x0] =	vst.idx.add.f32.msk vm6, v1  }
0x4c: {  	[tilespmem:v2+s20+$0x0] =	vst.idx.add.f32.msk vm7, v1  }
0x4d: {  	[tilespmem:v2+s20+$0x0] =	vst.idx.add.f32.msk vm8, v1  }
.Ltmp1:
0x4e: {  	[tilespmem:v2+s20+$0x0] =	vst.idx.add.f32.msk vm9, v1;
	(pc) =	sbr.rel @p1 .LBB2_4-.Ltmp1, $4  }
0x4f: {  	[tilespmem:v2+s20+$0x0] =	vst.idx.add.f32.msk vm10, v1  }
0x50: {  	[tilespmem:v2+s20+$0x0] =	vst.idx.add.f32.msk vm11, v1  }
0x51: {  	[tilespmem:v2+s20+$0x0] =	vst.idx.add.f32.msk vm12, v1  }
0x52: {  	[tilespmem:v2+s20+$0x0] =	vst.idx.add.f32.msk vm13, v1  }
0x53: {  	_ =	sdelay $0x4  }
0x54: {  	s25 =	sand.u32 $0x3FF0, s25;
	[tilespmem:v2+s20+$0x0] =	vst.idx.add.f32.msk vm14, v1  }
0x55: {  	v2 =	vld [tilespmem:s25+$0x2800];
	_ =	sdelay $0x7  }
0x56: {  	[tilespmem:v2+s20+$0x0] =	vst.idx.add.f32.msk $0x1, v1  }
0x57: {  	[tilespmem:v2+s20+$0x0] =	vst.idx.add.f32.msk vm0, v1  }
0x58: {  	[tilespmem:v2+s20+$0x0] =	vst.idx.add.f32.msk vm1, v1  }
0x59: {  	[tilespmem:v2+s20+$0x0] =	vst.idx.add.f32.msk vm2, v1  }
0x5a: {  	[tilespmem:v2+s20+$0x0] =	vst.idx.add.f32.msk vm3, v1  }
0x5b: {  	[tilespmem:v2+s20+$0x0] =	vst.idx.add.f32.msk vm4, v1  }
0x5c: {  	[tilespmem:v2+s20+$0x0] =	vst.idx.add.f32.msk vm5, v1  }
0x5d: {  	[tilespmem:v2+s20+$0x0] =	vst.idx.add.f32.msk vm6, v1  }
0x5e: {  	[tilespmem:v2+s20+$0x0] =	vst.idx.add.f32.msk vm7, v1  }
0x5f: {  	[tilespmem:v2+s20+$0x0] =	vst.idx.add.f32.msk vm8, v1  }
0x60: {  	[tilespmem:v2+s20+$0x0] =	vst.idx.add.f32.msk vm9, v1  }
0x61: {  	[tilespmem:v2+s20+$0x0] =	vst.idx.add.f32.msk vm10, v1  }
0x62: {  	[tilespmem:v2+s20+$0x0] =	vst.idx.add.f32.msk vm11, v1  }
0x63: {  	[tilespmem:v2+s20+$0x0] =	vst.idx.add.f32.msk vm12, v1  }
0x64: {  	[tilespmem:v2+s20+$0x0] =	vst.idx.add.f32.msk vm13, v1  }
0x65: {  	[tilespmem:v2+s20+$0x0] =	vst.idx.add.f32.msk vm14, v1  }
0x66: {  	s30 =	simm.s32 $0x0;
	[bflag:$0x0] =	sbarrier.arrive $0xFFFF  }
0x67: {  	[tilespmem:s22], [sflag:$0x1] =	stream.indirect.gather [hbm4b:s5+s21], $0x80, s30, s21, $0xb8;
	[tilespmem:$0x1F700] =	vst v63  }
0x68: {  	_ =	swait.ge [sflag:s14], $0x4000  }
0x69: {  	[sflag:s14] =	ssyncset.done $0x0  }
0x6a: {  	s31 =	simm.s32 $0x2800;
	[sflag:s14] =	ssyncadd.s32 $0xFFFFC000  }
0x6b: {  	[spmem:s2] =	stream.indirect.scatter.add.f32 [tilespmem:s22], [sflag:$0x1], $0x80, s31, s21, $0xb8;
	[tilespmem:$0x1F700] =	vst v63  }
0x6c: {  	_ =	swait.ge [sflag:s14], $0x4000  }
0x6d: {  	s26 =	simm.s32 $0x400;
	s25 =	simm.s32 $0x200;
	[sflag:s14] =	ssyncset.done $0x0  }
.LBB2_6:
0x6e: {  	s28 =	sshra.s32 s25, $0x2  }
0x6f: {  	[sflag:s14] =	ssyncadd.s32 $0xFFFFC000;
	s25 =	smov.u32 s26;
	s29 =	sadd.s32 $0x200, s26  }
0x70: {  	[tilespmem:s22], [sflag:$0x1] =	stream.indirect.gather [hbm4b:s5+s21], $0x80, s28, s21, $0xb8;
	[tilespmem:$0x1F700] =	vst v63  }
0x71: {  	p1 =	sne.s32 s26, $0x9E00;
	_ =	swait.ge [sflag:s14], $0x4000  }
.Ltmp2:
0x72: {  	[sflag:s14] =	ssyncset.done $0x0;
	(pc) =	sbr.rel @p1 .LBB2_6-.Ltmp2, $4  }
0x73: {  	s26 =	sadd.s32 $0x2800, s28;
	[sflag:s14] =	ssyncadd.s32 $0xFFFFC000  }
0x74: {  	[spmem:s2] =	stream.indirect.scatter.add.f32 [tilespmem:s22], [sflag:$0x1], $0x80, s26, s21, $0xb8;
	[tilespmem:$0x1F700] =	vst v63  }
0x75: {  	_ =	swait.ge [sflag:s14], $0x4000  }
0x76: {  	s26 =	smov.u32 s29;
	[sflag:s14] =	ssyncset.done $0x0  }
0x77: {  	s25 =	sshra.s32 s25, $0x2;
	[sflag:s14] =	ssyncadd.s32 $0xFFFFC000  }
0x78: {  	[tilespmem:s22], [sflag:$0x1] =	stream.indirect.gather [hbm4b:s5+s21], $0x80, s25, s21, $0xb8;
	[tilespmem:$0x1F700] =	vst v63  }
0x79: {  	_ =	swait.ge [sflag:s14], $0x4000  }
0x7a: {  	[sflag:s14] =	ssyncset.done $0x0  }
0x7b: {  	s25 =	sadd.s32 $0x2800, s25;
	[sflag:s14] =	ssyncadd.s32 $0xFFFFC000  }
0x7c: {  	[spmem:s2] =	stream.indirect.scatter.add.f32 [tilespmem:s22], [sflag:$0x1], $0x80, s25, s21, $0xb8;
	[tilespmem:$0x1F700] =	vst v63  }
0x7d: {  	_ =	swait.ge [sflag:s14], $0x4000  }
0x7e: {  	[sflag:s14] =	ssyncset.done $0x0  }
0x7f: {  	[sflag:s14] =	ssyncadd.s32 $0xFFFFC000  }
0x80: {  	[spmem:s3] =	stream.indirect.scatter.add.f32 [tilespmem:s20], [sflag:$0x1], $0x80, s18, s23, $0xb8;
	[tilespmem:$0x1F700] =	vst v63  }
0x81: {  	_ =	swait.ge [sflag:s14], $0x2800  }
0x82: {  	[sflag:s14] =	ssyncset.done $0x0  }
0x83: {  	[sflag:s14] =	ssyncadd.s32 $0xFFFFD800  }
0x84: {  	[bflag:$0x0] =	sbarrier.arrive $0xFFFF  }
0x85: {  	[hbm:s11], [sflag:s16] =	dma.local [spmem:s17], $0x2780  }
0x86: {  	s24 =	sadd.s32 $0x1, s24;
	_ =	swait.ge [sflag:s14], $0x2780  }
0x87: {  	p1 =	sne.s32 s24, s13;
	[sflag:s14] =	ssyncset.done $0x0  }
.Ltmp3:
0x88: {  	s25 =	simm.s32 @!p0 $0x1;
	[sflag:s14] =	ssyncadd.s32 $0xFFFFD880;
	(pc) =	sbr.rel @p1 .LBB2_1-.Ltmp3, $4  }
0x89: {  	[hbm:s12], [sflag:s16] =	dma.local @!p0 [spmem:s19], $0x80  }
0x8a: {  	_ =	swait.ge @!p0 [sflag:s25], $0x80  }
0x8b: {  	[sflag:s25] =	ssyncset.done @!p0 $0x0  }
0x8c: {  	[sflag:s25] =	ssyncadd.s32 @!p0 $0xFFFFFF80  }
0x8d: {  	_ =	sfence.sel $0x180000  }
0x8e: {  	[bflag:$0x0] =	sbarrier.arrive $0xFFFF  }
0x8f: {  	p0 =	sne.s32 s0, $0x0;
	_ =	strace $0x90000047  }
0x90: {  	s0 =	sadd.s32 @!p0 $0x100000, s1;
	[bflag:$0x2] =	sbarrier.arrive $0xFFFF  }
0x91: {  	[sflag:s0] =	ssyncadd.tile.s32 @!p0 $0x1;
	_ =	shalt  }
.Lfunc_end2:
_tile_overlayer_lowered:
.L_overlay_start_2:
0x92: {  	(tag) =	ssettag $0x2  }
0x93: {  	s0 =	rddreg [dreg:$0x0];
	s2 =	stileid.u32  }
0x94: {  	s1 =	rddreg [dreg:$0x1];
	p0 =	sne.s32 s2, $0x0  }
0x95: {  	s3 =	rddreg [dreg:$0x2];
	[bflag:$0x3] =	sbarrier.arrive $0xFFFF;
	s2 =	simm.s32 @!p0 $0x1C01  }
0x96: {  	[timem:s3], [sflag:s2] =	dma.local @!p0 [hbm:s0], s1  }
0x97: {  	s0 =	simm.s32 @!p0 $0x1  }
0x98: {  	_ =	swait.ge @!p0 [sflag:s0], s1  }
0x99: {  	s1 =	ssub.s32 @!p0 $0x0, s1;
	[sflag:s0] =	ssyncset.done @!p0 $0x0  }
0x9a: {  	[sflag:s0] =	ssyncadd.s32 @!p0 s1  }
0x9b: {  	[bflag:$0x3] =	sbarrier.arrive $0xFFFF  }
0x9c: {  	_ =	shalt  }

// kernel: kernel.14.cloned.1.call-start
scs
__scs_entry_jumppad:
0x0: {  	(pc) =	sbr.rel $0x88, $3  }
0x1: {  	(tag) =	ssettag $0x0;
	lr =	simm.s32 $0x1  }
0x2: {  	[smem:$0x3F96] =	sst lr;
	_ =	strace $0xD0000000  }
0x3: {  	_ = 	snop  }
0x4: {  	_ = 	snop  }
0x5: {  	_ = 	snop  }
0x6: {  	_ = 	snop  }
0x7: {  	_ = 	snop  }
__scs_overlays_trampoline_lowered:
0x8: {  	[smem:$0x3FA5] =	sst s0  }
0x9: {  	[smem:$0x3FA6] =	sst s1  }
0xa: {  	[smem:$0x3FA7] =	sst s2  }
0xb: {  	[smem:$0x3FA8] =	sst s3  }
0xc: {  	[smem:$0x3FA9] =	sst s4  }
0xd: {  	[smem:$0x3FAA] =	sst s5  }
0xe: {  	[smem:$0x3FAB] =	sst s6  }
0xf: {  	[smem:$0x3FAC] =	sst s7  }
0x10: {  	[smem:$0x3FAD] =	sst s8  }
0x11: {  	[smem:$0x3FAE] =	sst s9;
	s0 =	simm.s32 @!p0 $0x0  }
0x12: {  	s1 =	sld [smem:$0x3F94];
	s0 =	simm.s32 @p0 $0x1  }
0x13: {  	[smem:$0x3FAF] =	sst s0;
	s0 =	simm.s32 @!p1 $0x0  }
0x14: {  	s2 =	sld [smem:$0x3F93];
	s0 =	simm.s32 @p1 $0x1  }
0x15: {  	[smem:$0x3FB0] =	sst s0;
	s0 =	simm.s32 @!p2 $0x0  }
0x16: {  	s3 =	sld [smem:$0x3FDB];
	s0 =	simm.s32 @p2 $0x1  }
0x17: {  	s4 =	simm.s32 $0x1BF5;
	[smem:$0x3FB2] =	sst s0  }
0x18: {  	s0 =	sld [smem:$0x3F95];
	_ =	swait.ge [sflag:s4], $0x0  }
0x19: {  	s7 =	sld [smem:$0x3F96]  }
0x1a: {  	s8 =	sadd.s32 $0xFFFFE003, lr  }
0x1b: {  	s9 =	sadd.s32 $0xFFFFFEF7, lr;
	s5 =	simm.s32 $0xFFFFFFFF;
	p2 =	slt.u32 s8, $0xFFFFF086  }
0x1c: {  	p1 =	slt.u32 s9, $0xF7A;
	s5 =	simm.s32 @!p2 $0x0  }
0x1d: {  	s5 =	simm.s32 @p1 $0x1;
	p0 =	seq.s32 s7, s2  }
0x1e: {  	s7 =	smul.u32 @!p0 $0xF7A, s2;
	p2 =	seq.s32 @!p0 s5, $0x0  }
0x1f: {  	s9 =	smul.u32 $0xF7A, s1;
	s8 =	simm.s32 @!p0 $0x1BF5;
	p2 =	por !p2, p0  }
0x20: {  	[sflag:s8] =	ssyncset.s32 @!p0 $0xFFFFF086;
	s6 =	sadd.s32 @!p0 s3, s7;
	s7 =	simm.s32 @!p0 $0x108  }
0x21: {  	s3 =	sadd.s32 s3, s9;
	s6 =	sadd.s32 @!p0 $0x88, s6;
	s7 =	simm.s32 @p2 $0x1082  }
0x22: {  	[simem:s7], [sflag:s8] =	dma.local @!p0 [hbm:s6], $0xF7A  }
0x23: {  	s9 =	sor.u32 $0xD0000000, s2;
	s6 =	simm.s32 $0x108;
	_ =	swait.ge @!p0 [sflag:s8], $0x0  }
0x24: {  	s3 =	sadd.s32 $0x88, s3;
	s6 =	simm.s32 @!p1 $0x1082;
	[sflag:s4] =	ssyncset.s32 $0xFFFFF086  }
0x25: {  	[simem:s6], [sflag:s4] =	dma.local [hbm:s3], $0xF7A  }
0x26: {  	[smem:$0x3F96] =	sst s1;
	(tag) =	ssettag s2;
	_ =	strace s9  }
0x27: {  	s1 =	sld [smem:$0x3FA6]  }
0x28: {  	s2 =	sld [smem:$0x3FA7]  }
0x29: {  	s4 =	sld [smem:$0x3FA9]  }
0x2a: {  	p0 =	seq.s32 s5, $0x0;
	s5 =	sld [smem:$0x3FAA]  }
0x2b: {  	s6 =	sld [smem:$0x3FAB]  }
0x2c: {  	s7 =	sld [smem:$0x3FAC]  }
0x2d: {  	s3 =	simm.s32 $0x108;
	s8 =	sld [smem:$0x3FAD]  }
0x2e: {  	s3 =	simm.s32 @!p0 $0x1082;
	s9 =	sld [smem:$0x3FAE]  }
0x2f: {  	lr =	sadd.s32 s0, s3;
	s0 =	sld [smem:$0x3FA5]  }
0x30: {  	s3 =	sld [smem:$0x3FA8]  }
0x31: {  	[smem:$0x3FB1] =	sst s10  }
0x32: {  	s10 =	sld [smem:$0x3FAF];
	_ =	sdelay $0x3  }
0x33: {  	p0 =	seq.s32 s10, $0x1;
	s10 =	sld [smem:$0x3FB1];
	_ =	sdelay $0x3  }
0x34: {  	[smem:$0x3FB1] =	sst s10  }
0x35: {  	s10 =	sld [smem:$0x3FB0];
	_ =	sdelay $0x3  }
0x36: {  	p1 =	seq.s32 s10, $0x1;
	s10 =	sld [smem:$0x3FB1];
	_ =	sdelay $0x3  }
0x37: {  	[smem:$0x3FB1] =	sst s10  }
0x38: {  	s10 =	sld [smem:$0x3FB2]  }
0x39: {  	_ = 	snop;
	(pc) =	sbr.ind lr, $3  }
0x3a: {  	_ = 	snop  }
0x3b: {  	_ = 	snop  }
0x3c: {  	p2 =	seq.s32 s10, $0x1;
	s10 =	sld [smem:$0x3FB1]  }
0x3d: {  	_ =	shalt  }
0x3e: {  	_ =	shalt  }
0x3f: {  	_ =	shalt  }
0x40: {  	_ =	shalt  }
0x41: {  	_ =	shalt  }
0x42: {  	_ =	shalt  }
0x43: {  	_ =	shalt  }
0x44: {  	_ =	shalt  }
0x45: {  	_ =	shalt  }
0x46: {  	_ =	shalt  }
0x47: {  	_ =	shalt  }
0x48: {  	_ =	shalt  }
0x49: {  	_ =	shalt  }
0x4a: {  	_ =	shalt  }
0x4b: {  	_ =	shalt  }
0x4c: {  	_ =	shalt  }
0x4d: {  	_ =	shalt  }
0x4e: {  	_ =	shalt  }
0x4f: {  	_ =	shalt  }
0x50: {  	_ =	shalt  }
0x51: {  	_ =	shalt  }
0x52: {  	_ =	shalt  }
0x53: {  	_ =	shalt  }
0x54: {  	_ =	shalt  }
0x55: {  	_ =	shalt  }
0x56: {  	_ =	shalt  }
0x57: {  	_ =	shalt  }
0x58: {  	_ =	shalt  }
0x59: {  	_ =	shalt  }
0x5a: {  	_ =	shalt  }
0x5b: {  	_ =	shalt  }
0x5c: {  	_ =	shalt  }
0x5d: {  	_ =	shalt  }
0x5e: {  	_ =	shalt  }
0x5f: {  	_ =	shalt  }
0x60: {  	_ =	shalt  }
0x61: {  	_ =	shalt  }
0x62: {  	_ =	shalt  }
0x63: {  	_ =	shalt  }
0x64: {  	_ =	shalt  }
0x65: {  	_ =	shalt  }
0x66: {  	_ =	shalt  }
0x67: {  	_ =	shalt  }
0x68: {  	_ =	shalt  }
0x69: {  	_ =	shalt  }
0x6a: {  	_ =	shalt  }
0x6b: {  	_ =	shalt  }
0x6c: {  	_ =	shalt  }
0x6d: {  	_ =	shalt  }
0x6e: {  	_ =	shalt  }
0x6f: {  	_ =	shalt  }
0x70: {  	_ =	shalt  }
0x71: {  	_ =	shalt  }
0x72: {  	_ =	shalt  }
0x73: {  	_ =	shalt  }
0x74: {  	_ =	shalt  }
0x75: {  	_ =	shalt  }
0x76: {  	_ =	shalt  }
0x77: {  	_ =	shalt  }
0x78: {  	_ =	shalt  }
0x79: {  	_ =	shalt  }
0x7a: {  	_ =	shalt  }
0x7b: {  	_ =	shalt  }
0x7c: {  	_ =	shalt  }
0x7d: {  	_ =	shalt  }
0x7e: {  	_ =	shalt  }
0x7f: {  	_ =	shalt  }
0x80: {  	_ =	shalt  }
0x81: {  	_ =	shalt  }
0x82: {  	_ =	shalt  }
0x83: {  	_ =	shalt  }
0x84: {  	_ =	shalt  }
0x85: {  	_ =	shalt  }
0x86: {  	_ =	shalt  }
0x87: {  	_ =	shalt  }
.Lfunc_end0:
.L_simem_size_0:
called_computation.1_lowered:
.L_overlay_start_0:
0x88: {  	s2 =	sld [smem:$0x3FD9]  }
0x89: {  	s3 =	sld [smem:$0x3FFE];
	_ =	sdelay $0x1  }
0x8a: {  	s1 =	srdreg.scid  }
0x8b: {  	s0 =	sand.u32 $0x1, s1  }
0x8c: {  	s17 =	sshll.u32 s0, $0xA;
	s2 =	sadd.s32 s3, s2  }
0x8d: {  	s2 =	sadd.s32 s2, s17  }
0x8e: {  	[smem:$0x3FBD] =	sst s2  }
0x8f: {  	_ = 	snop  }
0x90: {  	s2 =	sld [smem:$0x3FD0];
	(tm) =	ssettm $0x1  }
0x91: {  	s18 =	sld [smem:$0x3FFB];
	_ =	sdelay $0x3  }
0x92: {  	_ =	strace s18  }
0x93: {  	s3 =	sld [smem:$0x3FFC];
	_ =	sdelay $0x3  }
0x94: {  	_ =	strace s3  }
0x95: {  	s3 =	sld [smem:$0x3FFD];
	_ =	sdelay $0x3  }
0x96: {  	_ =	strace s3  }
0x97: {  	_ =	strace $0x8FFFFFFF  }
0x98: {  	s19 =	sld [smem:$0x3FDB];
	_ =	sdelay $0x1  }
0x99: {  	s4 =	simm.s32 $_scs_section_size  }
0x9a: {  	s5 =	simm.s32 $_size__tile_overlayer_lowered;
	s6 =	simm.s32 $_tile_overlayer_lowered  }
0x9b: {  	s22 =	simm.s32 $0x1BFF;
	s21 =	sshll.u32 s6, $0x1;
	s3 =	sadd.s32 s4, s19  }
0x9c: {  	s7 =	simm.s32 $0x0;
	s20 =	sshll.u32 s5, $0x1;
	s5 =	sadd.s32 s21, s3  }
0x9d: {  	[timem:s7], [sflag:s22] =	dma.local [hbm:s5], s20  }
0x9e: {  	_ =	swait.ge [sflag:s22], s20  }
0x9f: {  	s4 =	ssub.s32 $0x0, s20;
	[sflag:s22] =	ssyncset.done $0x0  }
0xa0: {  	[sflag:s22] =	ssyncadd.s32 s4;
	_ =	sdelay $0x1  }
0xa1: {  	s23 =	simm.s32 $0x1B8B  }
0xa2: {  	_ =	swait.ge [sflag:s23], $0x1  }
0xa3: {  	[sflag:s23] =	ssyncset.done $0x0  }
0xa4: {  	s25 =	simm.s32 $0x1B8E;
	s24 =	sld [smem:$0x3FFE];
	[sflag:s23] =	ssyncadd.s32 $0xFFFFFFFF  }
0xa5: {  	s26 =	simm.s32 $execute0_lowered;
	[smem:$0x3FD2] =	sst s25  }
0xa6: {  	s5 =	sshll.u32 s26, $0x1;
	_ =	strace $0x80000049;
	[dreg:$0x1] =	wrdreg $0xFFFFFFFF  }
0xa7: {  	s28 =	simm.s32 $_size_execute0_lowered;
	s3 =	sadd.s32 s3, s5;
	[dreg:$0x0] =	wrdreg $0x0  }
0xa8: {  	s5 =	sshll.u32 s28, $0x1;
	[dreg:$0x2] =	wrdreg s3  }
0xa9: {  	[dreg:$0x3] =	wrdreg s5  }
0xaa: {  	[dreg:$0x4] =	wrdreg $0xC0  }
0xab: {  	_ =	task [dreg:s7], $0x5FFFF  }
0xac: {  	[dreg:$0x1] =	wrdreg $0xFFFFFFFF  }
0xad: {  	[dreg:$0x0] =	wrdreg $0x60  }
0xae: {  	[dreg:$0x2] =	wrdreg s24  }
0xaf: {  	[dreg:$0x3] =	wrdreg s2  }
0xb0: {  	[dreg:$0x4] =	wrdreg $0x90000  }
0xb1: {  	[dreg:$0x5] =	wrdreg $0x9  }
0xb2: {  	_ =	task.clear_ibuf [dreg:s7], $0x6FFFF;
	_ =	strace $0x90000049  }
0xb3: {  	s29 =	simm.s32 $0x9;
	_ =	strace $0x8000004B  }
0xb4: {  	_ =	swait.ge [sflag:s29], $0x1  }
0xb5: {  	[sflag:s29] =	ssyncadd.s32 $0xFFFFFFFF  }
0xb6: {  	_ =	strace $0x9000004B  }
0xb7: {  	_ =	sfence  }
0xb8: {  	s30 =	sld [smem:$0x0];
	_ =	sdelay $0x2  }
0xb9: {  	s31 =	sshll.u32 s1, $0xD;
	s1 =	sshrl.u32 s1, $0x2  }
0xba: {  	s3 =	sand.u32 $0x4000, s31;
	s1 =	sadd.s32 s1, s30  }
0xbb: {  	s0 =	sor.u32 s3, s0;
	s1 =	sshll.u32 s1, $0x11  }
0xbc: {  	s0 =	sor.u32 s1, s0  }
0xbd: {  	s0 =	sadd.s32 $0x8F2B, s0  }
0xbe: {  	[sflag:s0] =	ssyncadd.remote.s32 $0x1  }
0xbf: {  	_ =	sfence.sel $0xFFFF  }
0xc0: {  	[dreg:$0x0] =	wrdreg $0xFFFFFFFF;
	(pc) =	sbr.abs _section_cstart, $3  }
0xc1: {  	[dreg:$0x1] =	wrdreg $0xFFFFFFFF  }
0xc2: {  	_ =	task.clear_ibuf [dreg:s7], $0x2FFFF;
	_ =	strace $0x9FFFFFFF  }
0xc3: {  	(tm) =	ssettm $0x7FFFFFFF  }
tec
execute0_lowered:
.L_overlay_start_1:
0x0: {  	(tag) =	ssettag $0x1  }
0x1: {  	s5 =	rddreg [dreg:$0x0]  }
0x2: {  	s1 =	srdreg.scid;
	s7 =	rddreg [dreg:$0x1]  }
0x3: {  	s0 =	stileid.u32;
	s2 =	rddreg [dreg:$0x2]  }
0x4: {  	s3 =	simm.s32 $0x0;
	s14 =	simm.s32 $0x80;
	s15 =	simm.s32 $0x5000  }
0x5: {  	s16 =	simm.s32 $0x0;
	s6 =	sand.u32 $0x1, s1;
	s9 =	smul.u32 $0x13C00, s0  }
0x6: {  	s28 =	sshll.u32 s0, $0x1;
	[smem:$0x7FF] =	sst s3;
	s13 =	smul.u32 $0x4F000, s0  }
0x7: {  	s4 =	sadd.s32 $0xCA00, s5;
	s1 =	sor.u32 s6, s28;
	s10 =	smul.u32 $0x13C000, s6  }
0x8: {  	s31 =	sshll.u32 s0, $0x6;
	s6 =	ssub.s32 $0x2, s6;
	s8 =	smul.u32 $0x500, s1  }
0x9: {  	s1 =	rddreg [dreg:$0x3];
	_ =	strace $0x8000004A;
	s12 =	sshrl.u32 s9, $0x3  }
0xa: {  	s29 =	sshrl.u32 s6, $0x1;
	s30 =	sshrl.u32 s13, $0x2;
	s9 =	sadd.s32 s9, s10  }
0xb: {  	s12 =	sadd.s32 s12, s5;
	s10 =	ssub.s32 s6, s29;
	s13 =	sadd.s32 s30, s2  }
0xc: {  	s11 =	sadd.s32 s8, s5;
	s9 =	sshrl.u32 s9, $0x3;
	s13 =	sshrl.u32 s13, $0x3  }
0xd: {  	s9 =	sadd.s32 s9, s5;
	s5 =	sadd.s32 s7, s8;
	s6 =	sadd.s32 $0x2A00, s11  }
0xe: {  	s7 =	sadd.s32 $0x33E00, s12;
	s11 =	simm.s32 $0x2800;
	s12 =	sor.u32 $0x1C01, s31  }
0xf: {  	s8 =	sadd.s32 $0x5B600, s9;
	s9 =	smax.u32 s10, $0x1;
	s10 =	simm.s32 $0x1  }
.LBB2_1:
0x10: {  	[tilespmem:s3], [sflag:$0x1] =	stream.linear.gather [hbm4b:s5+s3], $0x2800, $0x38;
	[tilespmem:$0x1CC00] =	vst v63  }
0x11: {  	_ =	swait.ge [sflag:s10], $0x2800  }
0x12: {  	[sflag:s10] =	ssyncset.done $0x0  }
0x13: {  	[sflag:s10] =	ssyncadd.s32 $0xFFFFD800  }
0x14: {  	[tilespmem:s11], [sflag:$0x1] =	stream.linear.gather [hbm4b:s6+s3], $0x2800, $0x38;
	[tilespmem:$0x1CC00] =	vst v63  }
0x15: {  	_ =	swait.ge [sflag:s10], $0x2800  }
0x16: {  	[sflag:s10] =	ssyncset.done $0x0  }
0x17: {  	[sflag:s10] =	ssyncadd.s32 $0xFFFFD800  }
0x18: {  	[spmem:s13], [sflag:s12] =	dma.local [hbm:s7], $0x2780  }
0x19: {  	_ =	swait.ge [sflag:s10], $0x2780  }
0x1a: {  	[sflag:s10] =	ssyncset.done $0x0  }
0x1b: {  	[sflag:s10] =	ssyncadd.s32 $0xFFFFD880  }
0x1c: {  	s17 =	simm.s32 $0x0;
	[bflag:$0x0] =	sbarrier.arrive $0xFFFF  }
0x1d: {  	[tilespmem:s15], [sflag:$0x1] =	stream.indirect.gather [hbm4b:s4+s14], $0x80, s17, s14, $0xb8;
	[tilespmem:$0x1CC00] =	vst v63  }
0x1e: {  	_ =	swait.ge [sflag:s10], $0x4000  }
0x1f: {  	[sflag:s10] =	ssyncset.done $0x0  }
0x20: {  	s31 =	simm.s32 $0x2800;
	[sflag:s10] =	ssyncadd.s32 $0xFFFFC000  }
0x21: {  	[spmem:s2] =	stream.indirect.scatter.add.f32 [tilespmem:s15], [sflag:$0x1], $0x80, s31, s14, $0xb8;
	[tilespmem:$0x1CC00] =	vst v63  }
0x22: {  	_ =	swait.ge [sflag:s10], $0x4000  }
0x23: {  	s18 =	simm.s32 $0x400;
	s17 =	simm.s32 $0x200;
	[sflag:s10] =	ssyncset.done $0x0  }
.LBB2_2:
0x24: {  	s19 =	sshra.s32 s17, $0x2  }
0x25: {  	[sflag:s10] =	ssyncadd.s32 $0xFFFFC000;
	s17 =	smov.u32 s18;
	s20 =	sadd.s32 $0x200, s18  }
0x26: {  	[tilespmem:s15], [sflag:$0x1] =	stream.indirect.gather [hbm4b:s4+s14], $0x80, s19, s14, $0xb8;
	[tilespmem:$0x1CC00] =	vst v63  }
0x27: {  	p0 =	sne.s32 s18, $0x9E00;
	_ =	swait.ge [sflag:s10], $0x4000  }
.Ltmp0:
0x28: {  	[sflag:s10] =	ssyncset.done $0x0;
	(pc) =	sbr.rel @p0 .LBB2_2-.Ltmp0, $4  }
0x29: {  	s18 =	sadd.s32 $0x2800, s19;
	[sflag:s10] =	ssyncadd.s32 $0xFFFFC000  }
0x2a: {  	[spmem:s2] =	stream.indirect.scatter.add.f32 [tilespmem:s15], [sflag:$0x1], $0x80, s18, s14, $0xb8;
	[tilespmem:$0x1CC00] =	vst v63  }
0x2b: {  	_ =	swait.ge [sflag:s10], $0x4000  }
0x2c: {  	s18 =	smov.u32 s20;
	[sflag:s10] =	ssyncset.done $0x0  }
0x2d: {  	s17 =	sshra.s32 s17, $0x2;
	[sflag:s10] =	ssyncadd.s32 $0xFFFFC000  }
0x2e: {  	[tilespmem:s15], [sflag:$0x1] =	stream.indirect.gather [hbm4b:s4+s14], $0x80, s17, s14, $0xb8;
	[tilespmem:$0x1CC00] =	vst v63  }
0x2f: {  	_ =	swait.ge [sflag:s10], $0x4000  }
0x30: {  	[sflag:s10] =	ssyncset.done $0x0  }
0x31: {  	s17 =	sadd.s32 $0x2800, s17;
	[sflag:s10] =	ssyncadd.s32 $0xFFFFC000  }
0x32: {  	[spmem:s2] =	stream.indirect.scatter.add.f32 [tilespmem:s15], [sflag:$0x1], $0x80, s17, s14, $0xb8;
	[tilespmem:$0x1CC00] =	vst v63  }
0x33: {  	_ =	swait.ge [sflag:s10], $0x4000  }
0x34: {  	s16 =	sadd.s32 $0x1, s16;
	[sflag:s10] =	ssyncset.done $0x0  }
0x35: {  	p0 =	sne.s32 s16, s9;
	[sflag:s10] =	ssyncadd.s32 $0xFFFFC000  }
.Ltmp1:
0x36: {  	[bflag:$0x0] =	sbarrier.arrive $0xFFFF;
	(pc) =	sbr.rel @p0 .LBB2_1-.Ltmp1, $4  }
0x37: {  	[hbm:s8], [sflag:s12] =	dma.local [spmem:s13], $0x2780  }
0x38: {  	_ =	swait.ge [sflag:s10], $0x2780  }
0x39: {  	[sflag:s10] =	ssyncset.done $0x0  }
0x3a: {  	[sflag:s10] =	ssyncadd.s32 $0xFFFFD880  }
0x3b: {  	_ =	sfence.sel $0x180000  }
0x3c: {  	[bflag:$0x0] =	sbarrier.arrive $0xFFFF  }
0x3d: {  	p0 =	sne.s32 s0, $0x0;
	_ =	strace $0x9000004A  }
0x3e: {  	s0 =	sadd.s32 @!p0 $0x100000, s1;
	[bflag:$0x2] =	sbarrier.arrive $0xFFFF  }
0x3f: {  	[sflag:s0] =	ssyncadd.tile.s32 @!p0 $0x1;
	_ =	shalt  }
.Lfunc_end2:
_tile_overlayer_lowered:
.L_overlay_start_2:
0x40: {  	(tag) =	ssettag $0x2  }
0x41: {  	s0 =	rddreg [dreg:$0x0];
	s2 =	stileid.u32  }
0x42: {  	s1 =	rddreg [dreg:$0x1];
	p0 =	sne.s32 s2, $0x0  }
0x43: {  	s3 =	rddreg [dreg:$0x2];
	[bflag:$0x3] =	sbarrier.arrive $0xFFFF;
	s2 =	simm.s32 @!p0 $0x1C01  }
0x44: {  	[timem:s3], [sflag:s2] =	dma.local @!p0 [hbm:s0], s1  }
0x45: {  	s0 =	simm.s32 @!p0 $0x1  }
0x46: {  	_ =	swait.ge @!p0 [sflag:s0], s1  }
0x47: {  	s1 =	ssub.s32 @!p0 $0x0, s1;
	[sflag:s0] =	ssyncset.done @!p0 $0x0  }
0x48: {  	[sflag:s0] =	ssyncadd.s32 @!p0 s1  }
0x49: {  	[bflag:$0x3] =	sbarrier.arrive $0xFFFF  }
0x4a: {  	_ =	shalt  }

// kernel: kernel.17.cloned.1.call-start
scs
__scs_entry_jumppad:
0x0: {  	(pc) =	sbr.rel $0x88, $3  }
0x1: {  	(tag) =	ssettag $0x0;
	lr =	simm.s32 $0x1  }
0x2: {  	[smem:$0x3F96] =	sst lr;
	_ =	strace $0xD0000000  }
0x3: {  	_ = 	snop  }
0x4: {  	_ = 	snop  }
0x5: {  	_ = 	snop  }
0x6: {  	_ = 	snop  }
0x7: {  	_ = 	snop  }
__scs_overlays_trampoline_lowered:
0x8: {  	[smem:$0x3FA5] =	sst s0  }
0x9: {  	[smem:$0x3FA6] =	sst s1  }
0xa: {  	[smem:$0x3FA7] =	sst s2  }
0xb: {  	[smem:$0x3FA8] =	sst s3  }
0xc: {  	[smem:$0x3FA9] =	sst s4  }
0xd: {  	[smem:$0x3FAA] =	sst s5  }
0xe: {  	[smem:$0x3FAB] =	sst s6  }
0xf: {  	[smem:$0x3FAC] =	sst s7  }
0x10: {  	[smem:$0x3FAD] =	sst s8  }
0x11: {  	[smem:$0x3FAE] =	sst s9;
	s0 =	simm.s32 @!p0 $0x0  }
0x12: {  	s1 =	sld [smem:$0x3F94];
	s0 =	simm.s32 @p0 $0x1  }
0x13: {  	[smem:$0x3FAF] =	sst s0;
	s0 =	simm.s32 @!p1 $0x0  }
0x14: {  	s2 =	sld [smem:$0x3F93];
	s0 =	simm.s32 @p1 $0x1  }
0x15: {  	[smem:$0x3FB0] =	sst s0;
	s0 =	simm.s32 @!p2 $0x0  }
0x16: {  	s3 =	sld [smem:$0x3FDB];
	s0 =	simm.s32 @p2 $0x1  }
0x17: {  	s4 =	simm.s32 $0x1BF5;
	[smem:$0x3FB2] =	sst s0  }
0x18: {  	s0 =	sld [smem:$0x3F95];
	_ =	swait.ge [sflag:s4], $0x0  }
0x19: {  	s7 =	sld [smem:$0x3F96]  }
0x1a: {  	s8 =	sadd.s32 $0xFFFFE003, lr  }
0x1b: {  	s9 =	sadd.s32 $0xFFFFFEF7, lr;
	s5 =	simm.s32 $0xFFFFFFFF;
	p2 =	slt.u32 s8, $0xFFFFF086  }
0x1c: {  	p1 =	slt.u32 s9, $0xF7A;
	s5 =	simm.s32 @!p2 $0x0  }
0x1d: {  	s5 =	simm.s32 @p1 $0x1;
	p0 =	seq.s32 s7, s2  }
0x1e: {  	s7 =	smul.u32 @!p0 $0xF7A, s2;
	p2 =	seq.s32 @!p0 s5, $0x0  }
0x1f: {  	s9 =	smul.u32 $0xF7A, s1;
	s8 =	simm.s32 @!p0 $0x1BF5;
	p2 =	por !p2, p0  }
0x20: {  	[sflag:s8] =	ssyncset.s32 @!p0 $0xFFFFF086;
	s6 =	sadd.s32 @!p0 s3, s7;
	s7 =	simm.s32 @!p0 $0x108  }
0x21: {  	s3 =	sadd.s32 s3, s9;
	s6 =	sadd.s32 @!p0 $0x88, s6;
	s7 =	simm.s32 @p2 $0x1082  }
0x22: {  	[simem:s7], [sflag:s8] =	dma.local @!p0 [hbm:s6], $0xF7A  }
0x23: {  	s9 =	sor.u32 $0xD0000000, s2;
	s6 =	simm.s32 $0x108;
	_ =	swait.ge @!p0 [sflag:s8], $0x0  }
0x24: {  	s3 =	sadd.s32 $0x88, s3;
	s6 =	simm.s32 @!p1 $0x1082;
	[sflag:s4] =	ssyncset.s32 $0xFFFFF086  }
0x25: {  	[simem:s6], [sflag:s4] =	dma.local [hbm:s3], $0xF7A  }
0x26: {  	[smem:$0x3F96] =	sst s1;
	(tag) =	ssettag s2;
	_ =	strace s9  }
0x27: {  	s1 =	sld [smem:$0x3FA6]  }
0x28: {  	s2 =	sld [smem:$0x3FA7]  }
0x29: {  	s4 =	sld [smem:$0x3FA9]  }
0x2a: {  	p0 =	seq.s32 s5, $0x0;
	s5 =	sld [smem:$0x3FAA]  }
0x2b: {  	s6 =	sld [smem:$0x3FAB]  }
0x2c: {  	s7 =	sld [smem:$0x3FAC]  }
0x2d: {  	s3 =	simm.s32 $0x108;
	s8 =	sld [smem:$0x3FAD]  }
0x2e: {  	s3 =	simm.s32 @!p0 $0x1082;
	s9 =	sld [smem:$0x3FAE]  }
0x2f: {  	lr =	sadd.s32 s0, s3;
	s0 =	sld [smem:$0x3FA5]  }
0x30: {  	s3 =	sld [smem:$0x3FA8]  }
0x31: {  	[smem:$0x3FB1] =	sst s10  }
0x32: {  	s10 =	sld [smem:$0x3FAF];
	_ =	sdelay $0x3  }
0x33: {  	p0 =	seq.s32 s10, $0x1;
	s10 =	sld [smem:$0x3FB1];
	_ =	sdelay $0x3  }
0x34: {  	[smem:$0x3FB1] =	sst s10  }
0x35: {  	s10 =	sld [smem:$0x3FB0];
	_ =	sdelay $0x3  }
0x36: {  	p1 =	seq.s32 s10, $0x1;
	s10 =	sld [smem:$0x3FB1];
	_ =	sdelay $0x3  }
0x37: {  	[smem:$0x3FB1] =	sst s10  }
0x38: {  	s10 =	sld [smem:$0x3FB2]  }
0x39: {  	_ = 	snop;
	(pc) =	sbr.ind lr, $3  }
0x3a: {  	_ = 	snop  }
0x3b: {  	_ = 	snop  }
0x3c: {  	p2 =	seq.s32 s10, $0x1;
	s10 =	sld [smem:$0x3FB1]  }
0x3d: {  	_ =	shalt  }
0x3e: {  	_ =	shalt  }
0x3f: {  	_ =	shalt  }
0x40: {  	_ =	shalt  }
0x41: {  	_ =	shalt  }
0x42: {  	_ =	shalt  }
0x43: {  	_ =	shalt  }
0x44: {  	_ =	shalt  }
0x45: {  	_ =	shalt  }
0x46: {  	_ =	shalt  }
0x47: {  	_ =	shalt  }
0x48: {  	_ =	shalt  }
0x49: {  	_ =	shalt  }
0x4a: {  	_ =	shalt  }
0x4b: {  	_ =	shalt  }
0x4c: {  	_ =	shalt  }
0x4d: {  	_ =	shalt  }
0x4e: {  	_ =	shalt  }
0x4f: {  	_ =	shalt  }
0x50: {  	_ =	shalt  }
0x51: {  	_ =	shalt  }
0x52: {  	_ =	shalt  }
0x53: {  	_ =	shalt  }
0x54: {  	_ =	shalt  }
0x55: {  	_ =	shalt  }
0x56: {  	_ =	shalt  }
0x57: {  	_ =	shalt  }
0x58: {  	_ =	shalt  }
0x59: {  	_ =	shalt  }
0x5a: {  	_ =	shalt  }
0x5b: {  	_ =	shalt  }
0x5c: {  	_ =	shalt  }
0x5d: {  	_ =	shalt  }
0x5e: {  	_ =	shalt  }
0x5f: {  	_ =	shalt  }
0x60: {  	_ =	shalt  }
0x61: {  	_ =	shalt  }
0x62: {  	_ =	shalt  }
0x63: {  	_ =	shalt  }
0x64: {  	_ =	shalt  }
0x65: {  	_ =	shalt  }
0x66: {  	_ =	shalt  }
0x67: {  	_ =	shalt  }
0x68: {  	_ =	shalt  }
0x69: {  	_ =	shalt  }
0x6a: {  	_ =	shalt  }
0x6b: {  	_ =	shalt  }
0x6c: {  	_ =	shalt  }
0x6d: {  	_ =	shalt  }
0x6e: {  	_ =	shalt  }
0x6f: {  	_ =	shalt  }
0x70: {  	_ =	shalt  }
0x71: {  	_ =	shalt  }
0x72: {  	_ =	shalt  }
0x73: {  	_ =	shalt  }
0x74: {  	_ =	shalt  }
0x75: {  	_ =	shalt  }
0x76: {  	_ =	shalt  }
0x77: {  	_ =	shalt  }
0x78: {  	_ =	shalt  }
0x79: {  	_ =	shalt  }
0x7a: {  	_ =	shalt  }
0x7b: {  	_ =	shalt  }
0x7c: {  	_ =	shalt  }
0x7d: {  	_ =	shalt  }
0x7e: {  	_ =	shalt  }
0x7f: {  	_ =	shalt  }
0x80: {  	_ =	shalt  }
0x81: {  	_ =	shalt  }
0x82: {  	_ =	shalt  }
0x83: {  	_ =	shalt  }
0x84: {  	_ =	shalt  }
0x85: {  	_ =	shalt  }
0x86: {  	_ =	shalt  }
0x87: {  	_ =	shalt  }
.Lfunc_end0:
.L_simem_size_0:
called_computation.2_lowered:
.L_overlay_start_0:
0x88: {  	s2 =	sld [smem:$0x3FD9]  }
0x89: {  	s3 =	sld [smem:$0x3FFE];
	_ =	sdelay $0x1  }
0x8a: {  	s1 =	srdreg.scid  }
0x8b: {  	s0 =	sand.u32 $0x1, s1  }
0x8c: {  	s17 =	sshll.u32 s0, $0xA;
	s2 =	sadd.s32 s3, s2  }
0x8d: {  	s2 =	sadd.s32 s2, s17  }
0x8e: {  	[smem:$0x3FBD] =	sst s2  }
0x8f: {  	_ = 	snop  }
0x90: {  	s2 =	sld [smem:$0x3FD0];
	(tm) =	ssettm $0x1  }
0x91: {  	s18 =	sld [smem:$0x3FFB];
	_ =	sdelay $0x3  }
0x92: {  	_ =	strace s18  }
0x93: {  	s3 =	sld [smem:$0x3FFC];
	_ =	sdelay $0x3  }
0x94: {  	_ =	strace s3  }
0x95: {  	s3 =	sld [smem:$0x3FFD];
	_ =	sdelay $0x3  }
0x96: {  	_ =	strace s3  }
0x97: {  	_ =	strace $0x8FFFFFFF  }
0x98: {  	s19 =	sld [smem:$0x3FDB];
	_ =	sdelay $0x1  }
0x99: {  	s4 =	simm.s32 $_scs_section_size  }
0x9a: {  	s5 =	simm.s32 $_size__tile_overlayer_lowered;
	s6 =	simm.s32 $_tile_overlayer_lowered  }
0x9b: {  	s22 =	simm.s32 $0x1BFF;
	s21 =	sshll.u32 s6, $0x1;
	s3 =	sadd.s32 s4, s19  }
0x9c: {  	s7 =	simm.s32 $0x0;
	s20 =	sshll.u32 s5, $0x1;
	s5 =	sadd.s32 s21, s3  }
0x9d: {  	[timem:s7], [sflag:s22] =	dma.local [hbm:s5], s20  }
0x9e: {  	_ =	swait.ge [sflag:s22], s20  }
0x9f: {  	s4 =	ssub.s32 $0x0, s20;
	[sflag:s22] =	ssyncset.done $0x0  }
0xa0: {  	[sflag:s22] =	ssyncadd.s32 s4;
	_ =	sdelay $0x1  }
0xa1: {  	s23 =	simm.s32 $0x1B8B  }
0xa2: {  	_ =	swait.ge [sflag:s23], $0x1  }
0xa3: {  	[sflag:s23] =	ssyncset.done $0x0  }
0xa4: {  	s25 =	simm.s32 $0x1B8E;
	s24 =	sld [smem:$0x3FFE];
	[sflag:s23] =	ssyncadd.s32 $0xFFFFFFFF  }
0xa5: {  	s26 =	simm.s32 $execute0_lowered;
	[smem:$0x3FD2] =	sst s25  }
0xa6: {  	s5 =	sshll.u32 s26, $0x1;
	_ =	strace $0x8000004C;
	[dreg:$0x1] =	wrdreg $0xFFFFFFFF  }
0xa7: {  	s28 =	simm.s32 $_size_execute0_lowered;
	s3 =	sadd.s32 s3, s5;
	[dreg:$0x0] =	wrdreg $0x0  }
0xa8: {  	s5 =	sshll.u32 s28, $0x1;
	[dreg:$0x2] =	wrdreg s3  }
0xa9: {  	[dreg:$0x3] =	wrdreg s5  }
0xaa: {  	[dreg:$0x4] =	wrdreg $0xC0  }
0xab: {  	_ =	task [dreg:s7], $0x5FFFF  }
0xac: {  	[dreg:$0x1] =	wrdreg $0xFFFFFFFF  }
0xad: {  	[dreg:$0x0] =	wrdreg $0x60  }
0xae: {  	[dreg:$0x2] =	wrdreg s24  }
0xaf: {  	[dreg:$0x3] =	wrdreg s2  }
0xb0: {  	[dreg:$0x4] =	wrdreg $0x90000  }
0xb1: {  	[dreg:$0x5] =	wrdreg $0x9  }
0xb2: {  	_ =	task.clear_ibuf [dreg:s7], $0x6FFFF;
	_ =	strace $0x9000004C  }
0xb3: {  	s29 =	simm.s32 $0x9;
	_ =	strace $0x8000004E  }
0xb4: {  	_ =	swait.ge [sflag:s29], $0x1  }
0xb5: {  	[sflag:s29] =	ssyncadd.s32 $0xFFFFFFFF  }
0xb6: {  	_ =	strace $0x9000004E  }
0xb7: {  	_ =	sfence  }
0xb8: {  	s30 =	sld [smem:$0x0];
	_ =	sdelay $0x2  }
0xb9: {  	s31 =	sshll.u32 s1, $0xD;
	s1 =	sshrl.u32 s1, $0x2  }
0xba: {  	s3 =	sand.u32 $0x4000, s31;
	s1 =	sadd.s32 s1, s30  }
0xbb: {  	s0 =	sor.u32 s3, s0;
	s1 =	sshll.u32 s1, $0x11  }
0xbc: {  	s0 =	sor.u32 s1, s0  }
0xbd: {  	s0 =	sadd.s32 $0x8F2B, s0  }
0xbe: {  	[sflag:s0] =	ssyncadd.remote.s32 $0x1  }
0xbf: {  	_ =	sfence.sel $0xFFFF  }
0xc0: {  	[dreg:$0x0] =	wrdreg $0xFFFFFFFF;
	(pc) =	sbr.abs _section_cstart, $3  }
0xc1: {  	[dreg:$0x1] =	wrdreg $0xFFFFFFFF  }
0xc2: {  	_ =	task.clear_ibuf [dreg:s7], $0x2FFFF;
	_ =	strace $0x9FFFFFFF  }
0xc3: {  	(tm) =	ssettm $0x7FFFFFFF  }
tec
execute0_lowered:
.L_overlay_start_1:
0x0: {  	(tag) =	ssettag $0x1  }
0x1: {  	s5 =	rddreg [dreg:$0x0]  }
0x2: {  	s1 =	srdreg.scid;
	s7 =	rddreg [dreg:$0x1]  }
0x3: {  	s0 =	stileid.u32;
	s2 =	rddreg [dreg:$0x2]  }
0x4: {  	s3 =	simm.s32 $0x0;
	s14 =	simm.s32 $0x80;
	s15 =	simm.s32 $0x5000  }
0x5: {  	s16 =	simm.s32 $0x0;
	s6 =	sand.u32 $0x1, s1;
	s9 =	smul.u32 $0x13C00, s0  }
0x6: {  	s28 =	sshll.u32 s0, $0x1;
	[smem:$0x7FF] =	sst s3;
	s13 =	smul.u32 $0x4F000, s0  }
0x7: {  	s4 =	sadd.s32 $0xCA00, s5;
	s1 =	sor.u32 s6, s28;
	s10 =	smul.u32 $0x13C000, s6  }
0x8: {  	s31 =	sshll.u32 s0, $0x6;
	s6 =	ssub.s32 $0x2, s6;
	s8 =	smul.u32 $0x500, s1  }
0x9: {  	s1 =	rddreg [dreg:$0x3];
	_ =	strace $0x8000004D;
	s12 =	sshrl.u32 s9, $0x3  }
0xa: {  	s29 =	sshrl.u32 s6, $0x1;
	s30 =	sshrl.u32 s13, $0x2;
	s9 =	sadd.s32 s9, s10  }
0xb: {  	s12 =	sadd.s32 s12, s5;
	s10 =	ssub.s32 s6, s29;
	s13 =	sadd.s32 s30, s2  }
0xc: {  	s11 =	sadd.s32 s8, s5;
	s9 =	sshrl.u32 s9, $0x3;
	s13 =	sshrl.u32 s13, $0x3  }
0xd: {  	s9 =	sadd.s32 s9, s5;
	s5 =	sadd.s32 s7, s8;
	s6 =	sadd.s32 $0x2A00, s11  }
0xe: {  	s7 =	sadd.s32 $0x33E00, s12;
	s11 =	simm.s32 $0x2800;
	s12 =	sor.u32 $0x1C01, s31  }
0xf: {  	s8 =	sadd.s32 $0x5B600, s9;
	s9 =	smax.u32 s10, $0x1;
	s10 =	simm.s32 $0x1  }
.LBB2_1:
0x10: {  	[tilespmem:s3], [sflag:$0x1] =	stream.linear.gather [hbm4b:s5+s3], $0x2800, $0x38;
	[tilespmem:$0x1CC00] =	vst v63  }
0x11: {  	_ =	swait.ge [sflag:s10], $0x2800  }
0x12: {  	[sflag:s10] =	ssyncset.done $0x0  }
0x13: {  	[sflag:s10] =	ssyncadd.s32 $0xFFFFD800  }
0x14: {  	[tilespmem:s11], [sflag:$0x1] =	stream.linear.gather [hbm4b:s6+s3], $0x2800, $0x38;
	[tilespmem:$0x1CC00] =	vst v63  }
0x15: {  	_ =	swait.ge [sflag:s10], $0x2800  }
0x16: {  	[sflag:s10] =	ssyncset.done $0x0  }
0x17: {  	[sflag:s10] =	ssyncadd.s32 $0xFFFFD800  }
0x18: {  	[spmem:s13], [sflag:s12] =	dma.local [hbm:s7], $0x2780  }
0x19: {  	_ =	swait.ge [sflag:s10], $0x2780  }
0x1a: {  	[sflag:s10] =	ssyncset.done $0x0  }
0x1b: {  	[sflag:s10] =	ssyncadd.s32 $0xFFFFD880  }
0x1c: {  	s17 =	simm.s32 $0x0;
	[bflag:$0x0] =	sbarrier.arrive $0xFFFF  }
0x1d: {  	[tilespmem:s15], [sflag:$0x1] =	stream.indirect.gather [hbm4b:s4+s14], $0x80, s17, s14, $0xb8;
	[tilespmem:$0x1CC00] =	vst v63  }
0x1e: {  	_ =	swait.ge [sflag:s10], $0x4000  }
0x1f: {  	[sflag:s10] =	ssyncset.done $0x0  }
0x20: {  	s31 =	simm.s32 $0x2800;
	[sflag:s10] =	ssyncadd.s32 $0xFFFFC000  }
0x21: {  	[spmem:s2] =	stream.indirect.scatter.add.f32 [tilespmem:s15], [sflag:$0x1], $0x80, s31, s14, $0xb8;
	[tilespmem:$0x1CC00] =	vst v63  }
0x22: {  	_ =	swait.ge [sflag:s10], $0x4000  }
0x23: {  	s18 =	simm.s32 $0x400;
	s17 =	simm.s32 $0x200;
	[sflag:s10] =	ssyncset.done $0x0  }
.LBB2_2:
0x24: {  	s19 =	sshra.s32 s17, $0x2  }
0x25: {  	[sflag:s10] =	ssyncadd.s32 $0xFFFFC000;
	s17 =	smov.u32 s18;
	s20 =	sadd.s32 $0x200, s18  }
0x26: {  	[tilespmem:s15], [sflag:$0x1] =	stream.indirect.gather [hbm4b:s4+s14], $0x80, s19, s14, $0xb8;
	[tilespmem:$0x1CC00] =	vst v63  }
0x27: {  	p0 =	sne.s32 s18, $0x9E00;
	_ =	swait.ge [sflag:s10], $0x4000  }
.Ltmp0:
0x28: {  	[sflag:s10] =	ssyncset.done $0x0;
	(pc) =	sbr.rel @p0 .LBB2_2-.Ltmp0, $4  }
0x29: {  	s18 =	sadd.s32 $0x2800, s19;
	[sflag:s10] =	ssyncadd.s32 $0xFFFFC000  }
0x2a: {  	[spmem:s2] =	stream.indirect.scatter.add.f32 [tilespmem:s15], [sflag:$0x1], $0x80, s18, s14, $0xb8;
	[tilespmem:$0x1CC00] =	vst v63  }
0x2b: {  	_ =	swait.ge [sflag:s10], $0x4000  }
0x2c: {  	s18 =	smov.u32 s20;
	[sflag:s10] =	ssyncset.done $0x0  }
0x2d: {  	s17 =	sshra.s32 s17, $0x2;
	[sflag:s10] =	ssyncadd.s32 $0xFFFFC000  }
0x2e: {  	[tilespmem:s15], [sflag:$0x1] =	stream.indirect.gather [hbm4b:s4+s14], $0x80, s17, s14, $0xb8;
	[tilespmem:$0x1CC00] =	vst v63  }
0x2f: {  	_ =	swait.ge [sflag:s10], $0x4000  }
0x30: {  	[sflag:s10] =	ssyncset.done $0x0  }
0x31: {  	s17 =	sadd.s32 $0x2800, s17;
	[sflag:s10] =	ssyncadd.s32 $0xFFFFC000  }
0x32: {  	[spmem:s2] =	stream.indirect.scatter.add.f32 [tilespmem:s15], [sflag:$0x1], $0x80, s17, s14, $0xb8;
	[tilespmem:$0x1CC00] =	vst v63  }
0x33: {  	_ =	swait.ge [sflag:s10], $0x4000  }
0x34: {  	s16 =	sadd.s32 $0x1, s16;
	[sflag:s10] =	ssyncset.done $0x0  }
0x35: {  	p0 =	sne.s32 s16, s9;
	[sflag:s10] =	ssyncadd.s32 $0xFFFFC000  }
.Ltmp1:
0x36: {  	[bflag:$0x0] =	sbarrier.arrive $0xFFFF;
	(pc) =	sbr.rel @p0 .LBB2_1-.Ltmp1, $4  }
0x37: {  	[hbm:s8], [sflag:s12] =	dma.local [spmem:s13], $0x2780  }
0x38: {  	_ =	swait.ge [sflag:s10], $0x2780  }
0x39: {  	[sflag:s10] =	ssyncset.done $0x0  }
0x3a: {  	[sflag:s10] =	ssyncadd.s32 $0xFFFFD880  }
0x3b: {  	_ =	sfence.sel $0x180000  }
0x3c: {  	[bflag:$0x0] =	sbarrier.arrive $0xFFFF  }
0x3d: {  	p0 =	sne.s32 s0, $0x0;
	_ =	strace $0x9000004D  }
0x3e: {  	s0 =	sadd.s32 @!p0 $0x100000, s1;
	[bflag:$0x2] =	sbarrier.arrive $0xFFFF  }
0x3f: {  	[sflag:s0] =	ssyncadd.tile.s32 @!p0 $0x1;
	_ =	shalt  }
.Lfunc_end2:
_tile_overlayer_lowered:
.L_overlay_start_2:
0x40: {  	(tag) =	ssettag $0x2  }
0x41: {  	s0 =	rddreg [dreg:$0x0];
	s2 =	stileid.u32  }
0x42: {  	s1 =	rddreg [dreg:$0x1];
	p0 =	sne.s32 s2, $0x0  }
0x43: {  	s3 =	rddreg [dreg:$0x2];
	[bflag:$0x3] =	sbarrier.arrive $0xFFFF;
	s2 =	simm.s32 @!p0 $0x1C01  }
0x44: {  	[timem:s3], [sflag:s2] =	dma.local @!p0 [hbm:s0], s1  }
0x45: {  	s0 =	simm.s32 @!p0 $0x1  }
0x46: {  	_ =	swait.ge @!p0 [sflag:s0], s1  }
0x47: {  	s1 =	ssub.s32 @!p0 $0x0, s1;
	[sflag:s0] =	ssyncset.done @!p0 $0x0  }
0x48: {  	[sflag:s0] =	ssyncadd.s32 @!p0 s1  }
0x49: {  	[bflag:$0x3] =	sbarrier.arrive $0xFFFF  }
0x4a: {  	_ =	shalt  }

</sc_bundles>
